<compile_context>
chip_gen: v7x
topology: tpu7x:2x2x1
jax: 0.10.2.dev20260603
libtpu: 0.0.44.dev20260713+nightly
codegen_flags: <defaults>
</compile_context>

<pallas_src>
import functools

import jax
import jax.numpy as jnp
from jax import lax
from jax.experimental import pallas as pl
from jax.experimental.pallas import tpu as pltpu
from jax.experimental.pallas import tpu_sc as plsc

N = 32 * 512 * 512
B = 1024
L = 16
NC = 2
NS = 16
NW = NC * NS
PER_W = N // NW
CHUNK = 16384
NCHUNK = PER_W // CHUNK


ROWS = CHUNK // 512


def _sc_hist(pred_hbm, tgt_hbm, outc_hbm, oute_hbm,
             pbuf0, tbuf0, pbuf1, tbuf1, cntpos, esum, semA, semB):
    cid = lax.axis_index("c")
    sid = lax.axis_index("s")
    wid = sid * NC + cid

    zeros = jnp.zeros((L,), jnp.float32)
    izeros = jnp.zeros((L,), jnp.int32)
    lane_base = lax.iota(jnp.int32, L) * (B + 1) - 0x4B000000
    fB = jnp.float32(B)
    magic = jnp.float32(8388608.0 - 0.5)

    def zero_body(k, _):
        cntpos[pl.ds(k * L, L)] = izeros
        esum[pl.ds(k * L, L)] = zeros
        return 0

    lax.fori_loop(0, (L * (B + 1)) // L, zero_body, 0)

    def start_fetch(ci, pbuf, tbuf, sem):
        r0 = ci * ROWS
        pltpu.async_copy(pred_hbm.at[wid, pl.ds(r0, ROWS), :], pbuf, sem)
        pltpu.async_copy(tgt_hbm.at[wid, pl.ds(r0, ROWS), :], tbuf, sem)

    def wait_fetch(pbuf, tbuf, sem):
        pltpu.make_async_copy(pred_hbm.at[0, pl.ds(0, ROWS), :], pbuf, sem).wait()
        pltpu.make_async_copy(tgt_hbm.at[0, pl.ds(0, ROWS), :], tbuf, sem).wait()

    U = 16

    def process(pbuf, tbuf):
        def vec_body(i, _):
            row = i >> 1
            cb = (i & 1) * 256
            xs = [pbuf[row, pl.ds(cb + u * L, L)] for u in range(U)]
            ts = [tbuf[row, pl.ds(cb + u * L, L)] for u in range(U)]
            sgns = [lax.shift_left(plsc.bitcast(t, jnp.int32), 8) for t in ts]
            ss = [plsc.bitcast(lax.bitwise_xor(plsc.bitcast(x, jnp.int32), g),
                               jnp.float32) for x, g in zip(xs, sgns)]
            exs = [jnp.exp(s) for s in ss]
            es = [1.0 / (1.0 + ex) for ex in exs]
            addrs = [lane_base + plsc.bitcast(e * fB + magic, jnp.int32)
                     for e in es]
            cpvals = [lax.shift_right_logical(g, 16) + 1 for g in sgns]
            for u in range(U):
                plsc.addupdate_scatter(cntpos, [addrs[u]], cpvals[u])
                plsc.addupdate_scatter(esum, [addrs[u]], es[u])
            return 0

        lax.fori_loop(0, CHUNK // (L * U), vec_body, 0)

    start_fetch(0, pbuf0, tbuf0, semA)

    def pair_body(g, _):
        ci0 = g * 2
        start_fetch(ci0 + 1, pbuf1, tbuf1, semB)
        wait_fetch(pbuf0, tbuf0, semA)
        process(pbuf0, tbuf0)

        @pl.when(ci0 + 2 < NCHUNK)
        def _():
            start_fetch(ci0 + 2, pbuf0, tbuf0, semA)

        wait_fetch(pbuf1, tbuf1, semB)
        process(pbuf1, tbuf1)
        return 0

    lax.fori_loop(0, NCHUNK // 2, pair_body, 0)

    pltpu.sync_copy(cntpos, outc_hbm.at[wid])
    pltpu.sync_copy(esum, oute_hbm.at[wid])


B1 = B + 1

_sc_hist_call = functools.partial(
    pl.kernel,
    out_type=(jax.ShapeDtypeStruct((NW, L * B1), jnp.int32),
              jax.ShapeDtypeStruct((NW, L * B1), jnp.float32)),
    mesh=plsc.VectorSubcoreMesh(core_axis_name="c", subcore_axis_name="s"),
    scratch_types=[
        pltpu.VMEM((ROWS, 512), jnp.float32),
        pltpu.VMEM((ROWS, 512), jnp.float32),
        pltpu.VMEM((ROWS, 512), jnp.float32),
        pltpu.VMEM((ROWS, 512), jnp.float32),
        pltpu.VMEM((L * B1,), jnp.int32),
        pltpu.VMEM((L * B1,), jnp.float32),
        pltpu.SemaphoreType.DMA,
        pltpu.SemaphoreType.DMA,
    ],
    compiler_params=pltpu.CompilerParams(needs_layout_passes=False),
)(_sc_hist)


def _tc_finish(hc_ref, he_ref, o_ref):
    M = hc_ref[...]
    cnt_i = lax.bitwise_and(M, 32767)
    pos_i = lax.shift_right_logical(M, 15)
    cnt_f = jnp.sum(cnt_i, axis=0, keepdims=True).astype(jnp.float32)
    pos_f = jnp.sum(pos_i, axis=0, keepdims=True).astype(jnp.float32)
    ec_f = jnp.sum(he_ref[...], axis=0, keepdims=True)

    def lane_reduce(v):
        acc = v[:, 0:B1]
        for l in range(1, L):
            acc = acc + v[:, l * B1:(l + 1) * B1]
        return acc

    cnt = lane_reduce(cnt_f)
    pos = lane_reduce(pos_f)
    ecsum = lane_reduce(ec_f)
    esum = cnt - ecsum

    r = lax.broadcasted_iota(jnp.int32, (B1, B1), 0)
    c = lax.broadcasted_iota(jnp.int32, (B1, B1), 1)
    mup = (r <= c).astype(jnp.float32)

    pre_cnt = jnp.dot(cnt, mup, precision=lax.Precision.HIGHEST)
    pre_pos = jnp.dot(pos, mup, precision=lax.Precision.HIGHEST)
    p_tot = jnp.sum(pos, axis=1, keepdims=True)

    def jac(i_, c1):
        den = p_tot + i_ - c1
        den = jnp.where(den == 0.0, 1.0, den)
        return jnp.where(i_ == 0.0, 0.0, 1.0 - (p_tot - c1) / den)

    j_end = jac(pre_cnt, pre_pos)
    j_start = jac(pre_cnt - cnt, pre_pos - pos)
    contrib = esum / jnp.maximum(cnt, 1.0) * (j_end - j_start)
    o_ref[...] = jnp.sum(contrib, axis=1, keepdims=True)


_tc_finish_call = pl.pallas_call(
    _tc_finish,
    out_shape=jax.ShapeDtypeStruct((1, 1), jnp.float32),
)


def kernel(pred, target):
    hist_cp, hist_e = _sc_hist_call(pred, target)
    loss = _tc_finish_call(hist_cp, hist_e)
    return loss.reshape(())

# --- scband reference (transcript-rebuilt; emitter-appended) ---
"""Pipeline reference for scband-lovasz-softmax-loss-3659312136382 (READ-ONLY COPY).

The authoritative reference and input builder live on the scoring server;
editing this copy changes nothing except your own understanding.
"""

import jax, jax.numpy as jnp
import numpy as np


def setup_inputs(seed: int = 0) -> dict:
    key = jax.random.key(seed)
    k1, k2 = jax.random.split(key)
    pred = jax.random.normal(k1, (32, 512, 512), dtype=jnp.float32)
    target = jax.random.randint(k2, (32, 512, 512), 0, 2).astype(jnp.float32)
    return {"pred": pred, "target": target}


def _lovasz_grad(gt_sorted):
    gts = gt_sorted.sum()
    intersection = gts - jnp.cumsum(gt_sorted)
    union = gts + jnp.cumsum(1.0 - gt_sorted)
    jaccard = 1.0 - intersection / union
    # jaccard[1:] = jaccard[1:] - jaccard[:-1]
    jaccard = jnp.concatenate([jaccard[:1], jaccard[1:] - jaccard[:-1]])
    return jaccard


def reference(pred, target):
    p = jax.nn.sigmoid(pred).reshape(-1)
    t = target.reshape(-1)
    errors = jnp.abs(p - t)
    # torch.sort(errors, 0, descending=True) -> values and permutation
    perm = jnp.argsort(-errors)
    errors_sorted = errors[perm]
    target_sorted = t[perm]
    grad = _lovasz_grad(target_sorted)
    loss = jnp.dot(errors_sorted, grad)
    return loss

if __name__ == "__main__":
    import jax
    _d = setup_inputs()
    print(jax.jit(kernel)(*tuple(_d.values())))

</pallas_src>

<mosaic_0001>
#map = affine_map<(d0, d1) -> (0, 0, 0)>
#map1 = affine_map<(d0, d1) -> (0, 0)>
module attributes {stable_mosaic.version = 14 : i64} {
  func.func @_sc_hist(%arg0: i32, %arg1: i32, %arg2: memref<32x512x512xf32, #tpu.memory_space<hbm>>, %arg3: memref<32x512x512xf32, #tpu.memory_space<hbm>>, %arg4: memref<32x16400xi32, #tpu.memory_space<hbm>>, %arg5: memref<32x16400xf32, #tpu.memory_space<hbm>>, %arg6: memref<32x512xf32, #tpu.memory_space<vmem>>, %arg7: memref<32x512xf32, #tpu.memory_space<vmem>>, %arg8: memref<32x512xf32, #tpu.memory_space<vmem>>, %arg9: memref<32x512xf32, #tpu.memory_space<vmem>>, %arg10: memref<16400xi32, #tpu.memory_space<vmem>>, %arg11: memref<16400xf32, #tpu.memory_space<vmem>>, %arg12: memref<!tpu.dma_semaphore, #tpu.memory_space<semaphore_mem>>, %arg13: memref<!tpu.dma_semaphore, #tpu.memory_space<semaphore_mem>>) attributes {dimension_semantics = [#tpu.dimension_semantics<core_parallel>, #tpu.dimension_semantics<subcore_parallel>], iteration_bounds = array<i64: 2, 16>, scalar_prefetch = 0 : i64, scratch_operands = 8 : i64, tpu.core_type = #tpu.core_type<sc_vector_subcore>, window_params = [{transform_indices = #map}, {transform_indices = #map}, {transform_indices = #map1}, {transform_indices = #map1}]} {
    %mul3A = arith.constant 2 : i32
    %mul3A_0 = arith.muli %arg1, %mul3A : i32
    %add3A = arith.addi %mul3A_0, %arg0 : i32
    %broadcast_in_dim3A = arith.constant 0.000000e+00 : f32
    %broadcast_in_dim3A_1 = vector.broadcast %broadcast_in_dim3A : f32 to vector<16xf32>
    %broadcast_in_dim3A_2 = arith.constant 0 : i32
    %broadcast_in_dim3A_3 = vector.broadcast %broadcast_in_dim3A_2 : i32 to vector<16xi32>
    %iota3A = tpu.iota {dimensions = array<i32: 0>} : vector<16xi32>
    %mul3A_4 = arith.constant 1025 : i32
    %mul3A_5 = vector.broadcast %mul3A_4 : i32 to vector<16xi32>
    %mul3A_6 = arith.muli %iota3A, %mul3A_5 : vector<16xi32>
    %sub3A = arith.constant 1258291200 : i32
    %sub3A_7 = vector.broadcast %sub3A : i32 to vector<16xi32>
    %sub3A_8 = arith.subi %mul3A_6, %sub3A_7 : vector<16xi32>
    %scan3A = arith.constant 0 : i32
    %scan3A_9 = arith.constant 0 : i32
    %scan3A_10 = arith.constant 1025 : i32
    %scan3A_11 = arith.addi %scan3A_9, %scan3A_10 : i32
    %scan3A_12 = arith.constant 1 : i32
    %scan3A_13 = scf.for %scan3A_39 = %scan3A_9 to %scan3A_11 step %scan3A_12 iter_args(%scan3A_40 = %scan3A) -> (i32)  : i32 {
      %mul3A_41 = arith.constant 16 : i32
      %mul3A_42 = arith.muli %scan3A_39, %mul3A_41 : i32
      %swap3A = arith.index_cast %mul3A_42 : i32 to index
      %swap3A_43 = tpu.vector_load %arg10[%swap3A] {strides = array<i32>} : memref<16400xi32, #tpu.memory_space<vmem>>, vector<16xi32>,
      tpu.vector_store %arg10[%swap3A], %broadcast_in_dim3A_3 {strides = array<i32>} : memref<16400xi32, #tpu.memory_space<vmem>>, vector<16xi32>,
      %mul3A_44 = arith.constant 16 : i32
      %mul3A_45 = arith.muli %scan3A_39, %mul3A_44 : i32
      %swap3A_46 = arith.index_cast %mul3A_45 : i32 to index
      %swap3A_47 = tpu.vector_load %arg11[%swap3A_46] {strides = array<i32>} : memref<16400xf32, #tpu.memory_space<vmem>>, vector<16xf32>,
      tpu.vector_store %arg11[%swap3A_46], %broadcast_in_dim3A_1 {strides = array<i32>} : memref<16400xf32, #tpu.memory_space<vmem>>, vector<16xf32>,
      %scan3A_48 = arith.constant 0 : i32
      scf.yield %scan3A_48 : i32
    }
    %scan3A_14 = arith.constant 1025 : i32
    %dma_start3A = arith.constant 0 : i32
    %dma_start3A_15 = arith.constant 0 : i32
    %dma_start3A_16 = tpu.memref_slice %arg2[%add3A, %dma_start3A, %dma_start3A_15] : memref<32x512x512xf32, #tpu.memory_space<hbm>> -> memref<1x32x512xf32, #tpu.memory_space<hbm>>
    %dma_start3A_17 = tpu.memref_squeeze %dma_start3A_16 : memref<1x32x512xf32, #tpu.memory_space<hbm>> -> memref<32x512xf32, #tpu.memory_space<hbm>>
    %dma_start3A_18 = arith.constant 0 : i32
    %dma_start3A_19 = arith.constant 0 : i32
    %dma_start3A_20 = tpu.memref_slice %arg2[%add3A, %dma_start3A_18, %dma_start3A_19] : memref<32x512x512xf32, #tpu.memory_space<hbm>> -> memref<1x32x512xf32, #tpu.memory_space<hbm>>
    %dma_start3A_21 = tpu.memref_squeeze %dma_start3A_20 : memref<1x32x512xf32, #tpu.memory_space<hbm>> -> memref<32x512xf32, #tpu.memory_space<hbm>>
    tpu.enqueue_dma source(%dma_start3A_21 : memref<32x512xf32, #tpu.memory_space<hbm>>) target(%arg6 : memref<32x512xf32, #tpu.memory_space<vmem>>) target_semaphore(%arg12 : memref<!tpu.dma_semaphore, #tpu.memory_space<semaphore_mem>>)
    %dma_start3A_22 = arith.constant 0 : i32
    %dma_start3A_23 = arith.constant 0 : i32
    %dma_start3A_24 = tpu.memref_slice %arg3[%add3A, %dma_start3A_22, %dma_start3A_23] : memref<32x512x512xf32, #tpu.memory_space<hbm>> -> memref<1x32x512xf32, #tpu.memory_space<hbm>>
    %dma_start3A_25 = tpu.memref_squeeze %dma_start3A_24 : memref<1x32x512xf32, #tpu.memory_space<hbm>> -> memref<32x512xf32, #tpu.memory_space<hbm>>
    %dma_start3A_26 = arith.constant 0 : i32
    %dma_start3A_27 = arith.constant 0 : i32
    %dma_start3A_28 = tpu.memref_slice %arg3[%add3A, %dma_start3A_26, %dma_start3A_27] : memref<32x512x512xf32, #tpu.memory_space<hbm>> -> memref<1x32x512xf32, #tpu.memory_space<hbm>>
    %dma_start3A_29 = tpu.memref_squeeze %dma_start3A_28 : memref<1x32x512xf32, #tpu.memory_space<hbm>> -> memref<32x512xf32, #tpu.memory_space<hbm>>
    tpu.enqueue_dma source(%dma_start3A_29 : memref<32x512xf32, #tpu.memory_space<hbm>>) target(%arg7 : memref<32x512xf32, #tpu.memory_space<vmem>>) target_semaphore(%arg12 : memref<!tpu.dma_semaphore, #tpu.memory_space<semaphore_mem>>)
    %scan3A_30 = arith.constant 1.024000e+03 : f32
    %scan3A_31 = arith.constant 8388607.5 : f32
    %scan3A_32 = arith.constant 0 : i32
    %scan3A_33 = arith.constant 0 : i32
    %scan3A_34 = arith.constant 8 : i32
    %scan3A_35 = arith.addi %scan3A_33, %scan3A_34 : i32
    %scan3A_36 = arith.constant 1 : i32
    %scan3A_37 = scf.for %scan3A_39 = %scan3A_33 to %scan3A_35 step %scan3A_36 iter_args(%scan3A_40 = %scan3A_32) -> (i32)  : i32 {
      %mul3A_41 = arith.constant 2 : i32
      %mul3A_42 = arith.muli %scan3A_39, %mul3A_41 : i32
      %add3A_43 = arith.constant 1 : i32
      %add3A_44 = arith.addi %mul3A_42, %add3A_43 : i32
      %mul3A_45 = arith.constant 32 : i32
      %mul3A_46 = arith.muli %add3A_44, %mul3A_45 : i32
      %dma_start3A_47 = arith.constant 0 : i32
      %dma_start3A_48 = tpu.memref_slice %arg2[%add3A, %mul3A_46, %dma_start3A_47] : memref<32x512x512xf32, #tpu.memory_space<hbm>> -> memref<1x32x512xf32, #tpu.memory_space<hbm>>
      %dma_start3A_49 = tpu.memref_squeeze %dma_start3A_48 : memref<1x32x512xf32, #tpu.memory_space<hbm>> -> memref<32x512xf32, #tpu.memory_space<hbm>>
      %dma_start3A_50 = arith.constant 0 : i32
      %dma_start3A_51 = tpu.memref_slice %arg2[%add3A, %mul3A_46, %dma_start3A_50] : memref<32x512x512xf32, #tpu.memory_space<hbm>> -> memref<1x32x512xf32, #tpu.memory_space<hbm>>
      %dma_start3A_52 = tpu.memref_squeeze %dma_start3A_51 : memref<1x32x512xf32, #tpu.memory_space<hbm>> -> memref<32x512xf32, #tpu.memory_space<hbm>>
      tpu.enqueue_dma source(%dma_start3A_52 : memref<32x512xf32, #tpu.memory_space<hbm>>) target(%arg8 : memref<32x512xf32, #tpu.memory_space<vmem>>) target_semaphore(%arg13 : memref<!tpu.dma_semaphore, #tpu.memory_space<semaphore_mem>>)
      %dma_start3A_53 = arith.constant 0 : i32
      %dma_start3A_54 = tpu.memref_slice %arg3[%add3A, %mul3A_46, %dma_start3A_53] : memref<32x512x512xf32, #tpu.memory_space<hbm>> -> memref<1x32x512xf32, #tpu.memory_space<hbm>>
      %dma_start3A_55 = tpu.memref_squeeze %dma_start3A_54 : memref<1x32x512xf32, #tpu.memory_space<hbm>> -> memref<32x512xf32, #tpu.memory_space<hbm>>
      %dma_start3A_56 = arith.constant 0 : i32
      %dma_start3A_57 = tpu.memref_slice %arg3[%add3A, %mul3A_46, %dma_start3A_56] : memref<32x512x512xf32, #tpu.memory_space<hbm>> -> memref<1x32x512xf32, #tpu.memory_space<hbm>>
      %dma_start3A_58 = tpu.memref_squeeze %dma_start3A_57 : memref<1x32x512xf32, #tpu.memory_space<hbm>> -> memref<32x512xf32, #tpu.memory_space<hbm>>
      tpu.enqueue_dma source(%dma_start3A_58 : memref<32x512xf32, #tpu.memory_space<hbm>>) target(%arg9 : memref<32x512xf32, #tpu.memory_space<vmem>>) target_semaphore(%arg13 : memref<!tpu.dma_semaphore, #tpu.memory_space<semaphore_mem>>)
      %dma_wait3A = arith.constant 0 : i32
      %dma_wait3A_59 = arith.constant 0 : i32
      %dma_wait3A_60 = arith.constant 0 : i32
      %dma_wait3A_61 = tpu.memref_slice %arg2[%dma_wait3A, %dma_wait3A_59, %dma_wait3A_60] : memref<32x512x512xf32, #tpu.memory_space<hbm>> -> memref<1x32x512xf32, #tpu.memory_space<hbm>>
      %dma_wait3A_62 = tpu.memref_squeeze %dma_wait3A_61 : memref<1x32x512xf32, #tpu.memory_space<hbm>> -> memref<32x512xf32, #tpu.memory_space<hbm>>
      %dma_wait3A_63 = arith.constant 0 : i32
      %dma_wait3A_64 = arith.constant 0 : i32
      %dma_wait3A_65 = tpu.memref_slice %arg2[%dma_wait3A, %dma_wait3A_63, %dma_wait3A_64] : memref<32x512x512xf32, #tpu.memory_space<hbm>> -> memref<1x32x512xf32, #tpu.memory_space<hbm>>
      %dma_wait3A_66 = tpu.memref_squeeze %dma_wait3A_65 : memref<1x32x512xf32, #tpu.memory_space<hbm>> -> memref<32x512xf32, #tpu.memory_space<hbm>>
      tpu.wait_dma2 semaphore(%arg12 : memref<!tpu.dma_semaphore, #tpu.memory_space<semaphore_mem>>) src(%dma_wait3A_66 : memref<32x512xf32, #tpu.memory_space<hbm>>) dst(%arg6 : memref<32x512xf32, #tpu.memory_space<vmem>>)
      %dma_wait3A_67 = arith.constant 0 : i32
      %dma_wait3A_68 = arith.constant 0 : i32
      %dma_wait3A_69 = arith.constant 0 : i32
      %dma_wait3A_70 = tpu.memref_slice %arg3[%dma_wait3A_67, %dma_wait3A_68, %dma_wait3A_69] : memref<32x512x512xf32, #tpu.memory_space<hbm>> -> memref<1x32x512xf32, #tpu.memory_space<hbm>>
      %dma_wait3A_71 = tpu.memref_squeeze %dma_wait3A_70 : memref<1x32x512xf32, #tpu.memory_space<hbm>> -> memref<32x512xf32, #tpu.memory_space<hbm>>
      %dma_wait3A_72 = arith.constant 0 : i32
      %dma_wait3A_73 = arith.constant 0 : i32
      %dma_wait3A_74 = tpu.memref_slice %arg3[%dma_wait3A_67, %dma_wait3A_72, %dma_wait3A_73] : memref<32x512x512xf32, #tpu.memory_space<hbm>> -> memref<1x32x512xf32, #tpu.memory_space<hbm>>
      %dma_wait3A_75 = tpu.memref_squeeze %dma_wait3A_74 : memref<1x32x512xf32, #tpu.memory_space<hbm>> -> memref<32x512xf32, #tpu.memory_space<hbm>>
      tpu.wait_dma2 semaphore(%arg12 : memref<!tpu.dma_semaphore, #tpu.memory_space<semaphore_mem>>) src(%dma_wait3A_75 : memref<32x512xf32, #tpu.memory_space<hbm>>) dst(%arg7 : memref<32x512xf32, #tpu.memory_space<vmem>>)
      %scan3A_76 = arith.constant 0 : i32
      %scan3A_77 = arith.constant 0 : i32
      %scan3A_78 = arith.constant 64 : i32
      %scan3A_79 = arith.addi %scan3A_77, %scan3A_78 : i32
      %scan3A_80 = arith.constant 1 : i32
      %scan3A_81 = scf.for %scan3A_113 = %scan3A_77 to %scan3A_79 step %scan3A_80 iter_args(%scan3A_114 = %scan3A_76) -> (i32)  : i32 {
        %shift_right_arithmetic3A = arith.constant 1 : i32
        %shift_right_arithmetic3A_115 = arith.shrsi %scan3A_113, %shift_right_arithmetic3A : i32
        %and3A = arith.constant 1 : i32
        %and3A_116 = arith.andi %scan3A_113, %and3A : i32
        %mul3A_117 = arith.constant 256 : i32
        %mul3A_118 = arith.muli %and3A_116, %mul3A_117 : i32
        %add3A_119 = arith.constant 0 : i32
        %add3A_120 = arith.addi %mul3A_118, %add3A_119 : i32
        %get3A = arith.index_cast %shift_right_arithmetic3A_115 : i32 to index
        %get3A_121 = arith.index_cast %add3A_120 : i32 to index
        %get3A_122 = tpu.vector_load %arg6[%get3A, %get3A_121] {strides = array<i32>} : memref<32x512xf32, #tpu.memory_space<vmem>>, vector<16xf32>,
        %add3A_123 = arith.constant 16 : i32
        %add3A_124 = arith.addi %mul3A_118, %add3A_123 : i32
        %get3A_125 = arith.index_cast %shift_right_arithmetic3A_115 : i32 to index
        %get3A_126 = arith.index_cast %add3A_124 : i32 to index
        %get3A_127 = tpu.vector_load %arg6[%get3A_125, %get3A_126] {strides = array<i32>} : memref<32x512xf32, #tpu.memory_space<vmem>>, vector<16xf32>,
        %add3A_128 = arith.constant 32 : i32
        %add3A_129 = arith.addi %mul3A_118, %add3A_128 : i32
        %get3A_130 = arith.index_cast %shift_right_arithmetic3A_115 : i32 to index
        %get3A_131 = arith.index_cast %add3A_129 : i32 to index
        %get3A_132 = tpu.vector_load %arg6[%get3A_130, %get3A_131] {strides = array<i32>} : memref<32x512xf32, #tpu.memory_space<vmem>>, vector<16xf32>,
        %add3A_133 = arith.constant 48 : i32
        %add3A_134 = arith.addi %mul3A_118, %add3A_133 : i32
        %get3A_135 = arith.index_cast %shift_right_arithmetic3A_115 : i32 to index
        %get3A_136 = arith.index_cast %add3A_134 : i32 to index
        %get3A_137 = tpu.vector_load %arg6[%get3A_135, %get3A_136] {strides = array<i32>} : memref<32x512xf32, #tpu.memory_space<vmem>>, vector<16xf32>,
        %add3A_138 = arith.constant 64 : i32
        %add3A_139 = arith.addi %mul3A_118, %add3A_138 : i32
        %get3A_140 = arith.index_cast %shift_right_arithmetic3A_115 : i32 to index
        %get3A_141 = arith.index_cast %add3A_139 : i32 to index
        %get3A_142 = tpu.vector_load %arg6[%get3A_140, %get3A_141] {strides = array<i32>} : memref<32x512xf32, #tpu.memory_space<vmem>>, vector<16xf32>,
        %add3A_143 = arith.constant 80 : i32
        %add3A_144 = arith.addi %mul3A_118, %add3A_143 : i32
        %get3A_145 = arith.index_cast %shift_right_arithmetic3A_115 : i32 to index
        %get3A_146 = arith.index_cast %add3A_144 : i32 to index
        %get3A_147 = tpu.vector_load %arg6[%get3A_145, %get3A_146] {strides = array<i32>} : memref<32x512xf32, #tpu.memory_space<vmem>>, vector<16xf32>,
        %add3A_148 = arith.constant 96 : i32
        %add3A_149 = arith.addi %mul3A_118, %add3A_148 : i32
        %get3A_150 = arith.index_cast %shift_right_arithmetic3A_115 : i32 to index
        %get3A_151 = arith.index_cast %add3A_149 : i32 to index
        %get3A_152 = tpu.vector_load %arg6[%get3A_150, %get3A_151] {strides = array<i32>} : memref<32x512xf32, #tpu.memory_space<vmem>>, vector<16xf32>,
        %add3A_153 = arith.constant 112 : i32
        %add3A_154 = arith.addi %mul3A_118, %add3A_153 : i32
        %get3A_155 = arith.index_cast %shift_right_arithmetic3A_115 : i32 to index
        %get3A_156 = arith.index_cast %add3A_154 : i32 to index
        %get3A_157 = tpu.vector_load %arg6[%get3A_155, %get3A_156] {strides = array<i32>} : memref<32x512xf32, #tpu.memory_space<vmem>>, vector<16xf32>,
        %add3A_158 = arith.constant 128 : i32
        %add3A_159 = arith.addi %mul3A_118, %add3A_158 : i32
        %get3A_160 = arith.index_cast %shift_right_arithmetic3A_115 : i32 to index
        %get3A_161 = arith.index_cast %add3A_159 : i32 to index
        %get3A_162 = tpu.vector_load %arg6[%get3A_160, %get3A_161] {strides = array<i32>} : memref<32x512xf32, #tpu.memory_space<vmem>>, vector<16xf32>,
        %add3A_163 = arith.constant 144 : i32
        %add3A_164 = arith.addi %mul3A_118, %add3A_163 : i32
        %get3A_165 = arith.index_cast %shift_right_arithmetic3A_115 : i32 to index
        %get3A_166 = arith.index_cast %add3A_164 : i32 to index
        %get3A_167 = tpu.vector_load %arg6[%get3A_165, %get3A_166] {strides = array<i32>} : memref<32x512xf32, #tpu.memory_space<vmem>>, vector<16xf32>,
        %add3A_168 = arith.constant 160 : i32
        %add3A_169 = arith.addi %mul3A_118, %add3A_168 : i32
        %get3A_170 = arith.index_cast %shift_right_arithmetic3A_115 : i32 to index
        %get3A_171 = arith.index_cast %add3A_169 : i32 to index
        %get3A_172 = tpu.vector_load %arg6[%get3A_170, %get3A_171] {strides = array<i32>} : memref<32x512xf32, #tpu.memory_space<vmem>>, vector<16xf32>,
        %add3A_173 = arith.constant 176 : i32
        %add3A_174 = arith.addi %mul3A_118, %add3A_173 : i32
        %get3A_175 = arith.index_cast %shift_right_arithmetic3A_115 : i32 to index
        %get3A_176 = arith.index_cast %add3A_174 : i32 to index
        %get3A_177 = tpu.vector_load %arg6[%get3A_175, %get3A_176] {strides = array<i32>} : memref<32x512xf32, #tpu.memory_space<vmem>>, vector<16xf32>,
        %add3A_178 = arith.constant 192 : i32
        %add3A_179 = arith.addi %mul3A_118, %add3A_178 : i32
        %get3A_180 = arith.index_cast %shift_right_arithmetic3A_115 : i32 to index
        %get3A_181 = arith.index_cast %add3A_179 : i32 to index
        %get3A_182 = tpu.vector_load %arg6[%get3A_180, %get3A_181] {strides = array<i32>} : memref<32x512xf32, #tpu.memory_space<vmem>>, vector<16xf32>,
        %add3A_183 = arith.constant 208 : i32
        %add3A_184 = arith.addi %mul3A_118, %add3A_183 : i32
        %get3A_185 = arith.index_cast %shift_right_arithmetic3A_115 : i32 to index
        %get3A_186 = arith.index_cast %add3A_184 : i32 to index
        %get3A_187 = tpu.vector_load %arg6[%get3A_185, %get3A_186] {strides = array<i32>} : memref<32x512xf32, #tpu.memory_space<vmem>>, vector<16xf32>,
        %add3A_188 = arith.constant 224 : i32
        %add3A_189 = arith.addi %mul3A_118, %add3A_188 : i32
        %get3A_190 = arith.index_cast %shift_right_arithmetic3A_115 : i32 to index
        %get3A_191 = arith.index_cast %add3A_189 : i32 to index
        %get3A_192 = tpu.vector_load %arg6[%get3A_190, %get3A_191] {strides = array<i32>} : memref<32x512xf32, #tpu.memory_space<vmem>>, vector<16xf32>,
        %add3A_193 = arith.constant 240 : i32
        %add3A_194 = arith.addi %mul3A_118, %add3A_193 : i32
        %get3A_195 = arith.index_cast %shift_right_arithmetic3A_115 : i32 to index
        %get3A_196 = arith.index_cast %add3A_194 : i32 to index
        %get3A_197 = tpu.vector_load %arg6[%get3A_195, %get3A_196] {strides = array<i32>} : memref<32x512xf32, #tpu.memory_space<vmem>>, vector<16xf32>,
        %add3A_198 = arith.constant 0 : i32
        %add3A_199 = arith.addi %mul3A_118, %add3A_198 : i32
        %get3A_200 = arith.index_cast %shift_right_arithmetic3A_115 : i32 to index
        %get3A_201 = arith.index_cast %add3A_199 : i32 to index
        %get3A_202 = tpu.vector_load %arg7[%get3A_200, %get3A_201] {strides = array<i32>} : memref<32x512xf32, #tpu.memory_space<vmem>>, vector<16xf32>,
        %add3A_203 = arith.constant 16 : i32
        %add3A_204 = arith.addi %mul3A_118, %add3A_203 : i32
        %get3A_205 = arith.index_cast %shift_right_arithmetic3A_115 : i32 to index
        %get3A_206 = arith.index_cast %add3A_204 : i32 to index
        %get3A_207 = tpu.vector_load %arg7[%get3A_205, %get3A_206] {strides = array<i32>} : memref<32x512xf32, #tpu.memory_space<vmem>>, vector<16xf32>,
        %add3A_208 = arith.constant 32 : i32
        %add3A_209 = arith.addi %mul3A_118, %add3A_208 : i32
        %get3A_210 = arith.index_cast %shift_right_arithmetic3A_115 : i32 to index
        %get3A_211 = arith.index_cast %add3A_209 : i32 to index
        %get3A_212 = tpu.vector_load %arg7[%get3A_210, %get3A_211] {strides = array<i32>} : memref<32x512xf32, #tpu.memory_space<vmem>>, vector<16xf32>,
        %add3A_213 = arith.constant 48 : i32
        %add3A_214 = arith.addi %mul3A_118, %add3A_213 : i32
        %get3A_215 = arith.index_cast %shift_right_arithmetic3A_115 : i32 to index
        %get3A_216 = arith.index_cast %add3A_214 : i32 to index
        %get3A_217 = tpu.vector_load %arg7[%get3A_215, %get3A_216] {strides = array<i32>} : memref<32x512xf32, #tpu.memory_space<vmem>>, vector<16xf32>,
        %add3A_218 = arith.constant 64 : i32
        %add3A_219 = arith.addi %mul3A_118, %add3A_218 : i32
        %get3A_220 = arith.index_cast %shift_right_arithmetic3A_115 : i32 to index
        %get3A_221 = arith.index_cast %add3A_219 : i32 to index
        %get3A_222 = tpu.vector_load %arg7[%get3A_220, %get3A_221] {strides = array<i32>} : memref<32x512xf32, #tpu.memory_space<vmem>>, vector<16xf32>,
        %add3A_223 = arith.constant 80 : i32
        %add3A_224 = arith.addi %mul3A_118, %add3A_223 : i32
        %get3A_225 = arith.index_cast %shift_right_arithmetic3A_115 : i32 to index
        %get3A_226 = arith.index_cast %add3A_224 : i32 to index
        %get3A_227 = tpu.vector_load %arg7[%get3A_225, %get3A_226] {strides = array<i32>} : memref<32x512xf32, #tpu.memory_space<vmem>>, vector<16xf32>,
        %add3A_228 = arith.constant 96 : i32
        %add3A_229 = arith.addi %mul3A_118, %add3A_228 : i32
        %get3A_230 = arith.index_cast %shift_right_arithmetic3A_115 : i32 to index
        %get3A_231 = arith.index_cast %add3A_229 : i32 to index
        %get3A_232 = tpu.vector_load %arg7[%get3A_230, %get3A_231] {strides = array<i32>} : memref<32x512xf32, #tpu.memory_space<vmem>>, vector<16xf32>,
        %add3A_233 = arith.constant 112 : i32
        %add3A_234 = arith.addi %mul3A_118, %add3A_233 : i32
        %get3A_235 = arith.index_cast %shift_right_arithmetic3A_115 : i32 to index
        %get3A_236 = arith.index_cast %add3A_234 : i32 to index
        %get3A_237 = tpu.vector_load %arg7[%get3A_235, %get3A_236] {strides = array<i32>} : memref<32x512xf32, #tpu.memory_space<vmem>>, vector<16xf32>,
        %add3A_238 = arith.constant 128 : i32
        %add3A_239 = arith.addi %mul3A_118, %add3A_238 : i32
        %get3A_240 = arith.index_cast %shift_right_arithmetic3A_115 : i32 to index
        %get3A_241 = arith.index_cast %add3A_239 : i32 to index
        %get3A_242 = tpu.vector_load %arg7[%get3A_240, %get3A_241] {strides = array<i32>} : memref<32x512xf32, #tpu.memory_space<vmem>>, vector<16xf32>,
        %add3A_243 = arith.constant 144 : i32
        %add3A_244 = arith.addi %mul3A_118, %add3A_243 : i32
        %get3A_245 = arith.index_cast %shift_right_arithmetic3A_115 : i32 to index
        %get3A_246 = arith.index_cast %add3A_244 : i32 to index
        %get3A_247 = tpu.vector_load %arg7[%get3A_245, %get3A_246] {strides = array<i32>} : memref<32x512xf32, #tpu.memory_space<vmem>>, vector<16xf32>,
        %add3A_248 = arith.constant 160 : i32
        %add3A_249 = arith.addi %mul3A_118, %add3A_248 : i32
        %get3A_250 = arith.index_cast %shift_right_arithmetic3A_115 : i32 to index
        %get3A_251 = arith.index_cast %add3A_249 : i32 to index
        %get3A_252 = tpu.vector_load %arg7[%get3A_250, %get3A_251] {strides = array<i32>} : memref<32x512xf32, #tpu.memory_space<vmem>>, vector<16xf32>,
        %add3A_253 = arith.constant 176 : i32
        %add3A_254 = arith.addi %mul3A_118, %add3A_253 : i32
        %get3A_255 = arith.index_cast %shift_right_arithmetic3A_115 : i32 to index
        %get3A_256 = arith.index_cast %add3A_254 : i32 to index
        %get3A_257 = tpu.vector_load %arg7[%get3A_255, %get3A_256] {strides = array<i32>} : memref<32x512xf32, #tpu.memory_space<vmem>>, vector<16xf32>,
        %add3A_258 = arith.constant 192 : i32
        %add3A_259 = arith.addi %mul3A_118, %add3A_258 : i32
        %get3A_260 = arith.index_cast %shift_right_arithmetic3A_115 : i32 to index
        %get3A_261 = arith.index_cast %add3A_259 : i32 to index
        %get3A_262 = tpu.vector_load %arg7[%get3A_260, %get3A_261] {strides = array<i32>} : memref<32x512xf32, #tpu.memory_space<vmem>>, vector<16xf32>,
        %add3A_263 = arith.constant 208 : i32
        %add3A_264 = arith.addi %mul3A_118, %add3A_263 : i32
        %get3A_265 = arith.index_cast %shift_right_arithmetic3A_115 : i32 to index
        %get3A_266 = arith.index_cast %add3A_264 : i32 to index
        %get3A_267 = tpu.vector_load %arg7[%get3A_265, %get3A_266] {strides = array<i32>} : memref<32x512xf32, #tpu.memory_space<vmem>>, vector<16xf32>,
        %add3A_268 = arith.constant 224 : i32
        %add3A_269 = arith.addi %mul3A_118, %add3A_268 : i32
        %get3A_270 = arith.index_cast %shift_right_arithmetic3A_115 : i32 to index
        %get3A_271 = arith.index_cast %add3A_269 : i32 to index
        %get3A_272 = tpu.vector_load %arg7[%get3A_270, %get3A_271] {strides = array<i32>} : memref<32x512xf32, #tpu.memory_space<vmem>>, vector<16xf32>,
        %add3A_273 = arith.constant 240 : i32
        %add3A_274 = arith.addi %mul3A_118, %add3A_273 : i32
        %get3A_275 = arith.index_cast %shift_right_arithmetic3A_115 : i32 to index
        %get3A_276 = arith.index_cast %add3A_274 : i32 to index
        %get3A_277 = tpu.vector_load %arg7[%get3A_275, %get3A_276] {strides = array<i32>} : memref<32x512xf32, #tpu.memory_space<vmem>>, vector<16xf32>,
        %bitcast3A = vector.bitcast %get3A_202 : vector<16xf32> to vector<16xi32>
        %shift_left3A = arith.constant 8 : i32
        %shift_left3A_278 = vector.broadcast %shift_left3A : i32 to vector<16xi32>
        %shift_left3A_279 = arith.shli %bitcast3A, %shift_left3A_278 : vector<16xi32>
        %bitcast3A_280 = vector.bitcast %get3A_207 : vector<16xf32> to vector<16xi32>
        %shift_left3A_281 = arith.constant 8 : i32
        %shift_left3A_282 = vector.broadcast %shift_left3A_281 : i32 to vector<16xi32>
        %shift_left3A_283 = arith.shli %bitcast3A_280, %shift_left3A_282 : vector<16xi32>
        %bitcast3A_284 = vector.bitcast %get3A_212 : vector<16xf32> to vector<16xi32>
        %shift_left3A_285 = arith.constant 8 : i32
        %shift_left3A_286 = vector.broadcast %shift_left3A_285 : i32 to vector<16xi32>
        %shift_left3A_287 = arith.shli %bitcast3A_284, %shift_left3A_286 : vector<16xi32>
        %bitcast3A_288 = vector.bitcast %get3A_217 : vector<16xf32> to vector<16xi32>
        %shift_left3A_289 = arith.constant 8 : i32
        %shift_left3A_290 = vector.broadcast %shift_left3A_289 : i32 to vector<16xi32>
        %shift_left3A_291 = arith.shli %bitcast3A_288, %shift_left3A_290 : vector<16xi32>
        %bitcast3A_292 = vector.bitcast %get3A_222 : vector<16xf32> to vector<16xi32>
        %shift_left3A_293 = arith.constant 8 : i32
        %shift_left3A_294 = vector.broadcast %shift_left3A_293 : i32 to vector<16xi32>
        %shift_left3A_295 = arith.shli %bitcast3A_292, %shift_left3A_294 : vector<16xi32>
        %bitcast3A_296 = vector.bitcast %get3A_227 : vector<16xf32> to vector<16xi32>
        %shift_left3A_297 = arith.constant 8 : i32
        %shift_left3A_298 = vector.broadcast %shift_left3A_297 : i32 to vector<16xi32>
        %shift_left3A_299 = arith.shli %bitcast3A_296, %shift_left3A_298 : vector<16xi32>
        %bitcast3A_300 = vector.bitcast %get3A_232 : vector<16xf32> to vector<16xi32>
        %shift_left3A_301 = arith.constant 8 : i32
        %shift_left3A_302 = vector.broadcast %shift_left3A_301 : i32 to vector<16xi32>
        %shift_left3A_303 = arith.shli %bitcast3A_300, %shift_left3A_302 : vector<16xi32>
        %bitcast3A_304 = vector.bitcast %get3A_237 : vector<16xf32> to vector<16xi32>
        %shift_left3A_305 = arith.constant 8 : i32
        %shift_left3A_306 = vector.broadcast %shift_left3A_305 : i32 to vector<16xi32>
        %shift_left3A_307 = arith.shli %bitcast3A_304, %shift_left3A_306 : vector<16xi32>
        %bitcast3A_308 = vector.bitcast %get3A_242 : vector<16xf32> to vector<16xi32>
        %shift_left3A_309 = arith.constant 8 : i32
        %shift_left3A_310 = vector.broadcast %shift_left3A_309 : i32 to vector<16xi32>
        %shift_left3A_311 = arith.shli %bitcast3A_308, %shift_left3A_310 : vector<16xi32>
        %bitcast3A_312 = vector.bitcast %get3A_247 : vector<16xf32> to vector<16xi32>
        %shift_left3A_313 = arith.constant 8 : i32
        %shift_left3A_314 = vector.broadcast %shift_left3A_313 : i32 to vector<16xi32>
        %shift_left3A_315 = arith.shli %bitcast3A_312, %shift_left3A_314 : vector<16xi32>
        %bitcast3A_316 = vector.bitcast %get3A_252 : vector<16xf32> to vector<16xi32>
        %shift_left3A_317 = arith.constant 8 : i32
        %shift_left3A_318 = vector.broadcast %shift_left3A_317 : i32 to vector<16xi32>
        %shift_left3A_319 = arith.shli %bitcast3A_316, %shift_left3A_318 : vector<16xi32>
        %bitcast3A_320 = vector.bitcast %get3A_257 : vector<16xf32> to vector<16xi32>
        %shift_left3A_321 = arith.constant 8 : i32
        %shift_left3A_322 = vector.broadcast %shift_left3A_321 : i32 to vector<16xi32>
        %shift_left3A_323 = arith.shli %bitcast3A_320, %shift_left3A_322 : vector<16xi32>
        %bitcast3A_324 = vector.bitcast %get3A_262 : vector<16xf32> to vector<16xi32>
        %shift_left3A_325 = arith.constant 8 : i32
        %shift_left3A_326 = vector.broadcast %shift_left3A_325 : i32 to vector<16xi32>
        %shift_left3A_327 = arith.shli %bitcast3A_324, %shift_left3A_326 : vector<16xi32>
        %bitcast3A_328 = vector.bitcast %get3A_267 : vector<16xf32> to vector<16xi32>
        %shift_left3A_329 = arith.constant 8 : i32
        %shift_left3A_330 = vector.broadcast %shift_left3A_329 : i32 to vector<16xi32>
        %shift_left3A_331 = arith.shli %bitcast3A_328, %shift_left3A_330 : vector<16xi32>
        %bitcast3A_332 = vector.bitcast %get3A_272 : vector<16xf32> to vector<16xi32>
        %shift_left3A_333 = arith.constant 8 : i32
        %shift_left3A_334 = vector.broadcast %shift_left3A_333 : i32 to vector<16xi32>
        %shift_left3A_335 = arith.shli %bitcast3A_332, %shift_left3A_334 : vector<16xi32>
        %bitcast3A_336 = vector.bitcast %get3A_277 : vector<16xf32> to vector<16xi32>
        %shift_left3A_337 = arith.constant 8 : i32
        %shift_left3A_338 = vector.broadcast %shift_left3A_337 : i32 to vector<16xi32>
        %shift_left3A_339 = arith.shli %bitcast3A_336, %shift_left3A_338 : vector<16xi32>
        %bitcast3A_340 = vector.bitcast %get3A_122 : vector<16xf32> to vector<16xi32>
        %xor3A = arith.xori %bitcast3A_340, %shift_left3A_279 : vector<16xi32>
        %bitcast3A_341 = vector.bitcast %xor3A : vector<16xi32> to vector<16xf32>
        %bitcast3A_342 = vector.bitcast %get3A_127 : vector<16xf32> to vector<16xi32>
        %xor3A_343 = arith.xori %bitcast3A_342, %shift_left3A_283 : vector<16xi32>
        %bitcast3A_344 = vector.bitcast %xor3A_343 : vector<16xi32> to vector<16xf32>
        %bitcast3A_345 = vector.bitcast %get3A_132 : vector<16xf32> to vector<16xi32>
        %xor3A_346 = arith.xori %bitcast3A_345, %shift_left3A_287 : vector<16xi32>
        %bitcast3A_347 = vector.bitcast %xor3A_346 : vector<16xi32> to vector<16xf32>
        %bitcast3A_348 = vector.bitcast %get3A_137 : vector<16xf32> to vector<16xi32>
        %xor3A_349 = arith.xori %bitcast3A_348, %shift_left3A_291 : vector<16xi32>
        %bitcast3A_350 = vector.bitcast %xor3A_349 : vector<16xi32> to vector<16xf32>
        %bitcast3A_351 = vector.bitcast %get3A_142 : vector<16xf32> to vector<16xi32>
        %xor3A_352 = arith.xori %bitcast3A_351, %shift_left3A_295 : vector<16xi32>
        %bitcast3A_353 = vector.bitcast %xor3A_352 : vector<16xi32> to vector<16xf32>
        %bitcast3A_354 = vector.bitcast %get3A_147 : vector<16xf32> to vector<16xi32>
        %xor3A_355 = arith.xori %bitcast3A_354, %shift_left3A_299 : vector<16xi32>
        %bitcast3A_356 = vector.bitcast %xor3A_355 : vector<16xi32> to vector<16xf32>
        %bitcast3A_357 = vector.bitcast %get3A_152 : vector<16xf32> to vector<16xi32>
        %xor3A_358 = arith.xori %bitcast3A_357, %shift_left3A_303 : vector<16xi32>
        %bitcast3A_359 = vector.bitcast %xor3A_358 : vector<16xi32> to vector<16xf32>
        %bitcast3A_360 = vector.bitcast %get3A_157 : vector<16xf32> to vector<16xi32>
        %xor3A_361 = arith.xori %bitcast3A_360, %shift_left3A_307 : vector<16xi32>
        %bitcast3A_362 = vector.bitcast %xor3A_361 : vector<16xi32> to vector<16xf32>
        %bitcast3A_363 = vector.bitcast %get3A_162 : vector<16xf32> to vector<16xi32>
        %xor3A_364 = arith.xori %bitcast3A_363, %shift_left3A_311 : vector<16xi32>
        %bitcast3A_365 = vector.bitcast %xor3A_364 : vector<16xi32> to vector<16xf32>
        %bitcast3A_366 = vector.bitcast %get3A_167 : vector<16xf32> to vector<16xi32>
        %xor3A_367 = arith.xori %bitcast3A_366, %shift_left3A_315 : vector<16xi32>
        %bitcast3A_368 = vector.bitcast %xor3A_367 : vector<16xi32> to vector<16xf32>
        %bitcast3A_369 = vector.bitcast %get3A_172 : vector<16xf32> to vector<16xi32>
        %xor3A_370 = arith.xori %bitcast3A_369, %shift_left3A_319 : vector<16xi32>
        %bitcast3A_371 = vector.bitcast %xor3A_370 : vector<16xi32> to vector<16xf32>
        %bitcast3A_372 = vector.bitcast %get3A_177 : vector<16xf32> to vector<16xi32>
        %xor3A_373 = arith.xori %bitcast3A_372, %shift_left3A_323 : vector<16xi32>
        %bitcast3A_374 = vector.bitcast %xor3A_373 : vector<16xi32> to vector<16xf32>
        %bitcast3A_375 = vector.bitcast %get3A_182 : vector<16xf32> to vector<16xi32>
        %xor3A_376 = arith.xori %bitcast3A_375, %shift_left3A_327 : vector<16xi32>
        %bitcast3A_377 = vector.bitcast %xor3A_376 : vector<16xi32> to vector<16xf32>
        %bitcast3A_378 = vector.bitcast %get3A_187 : vector<16xf32> to vector<16xi32>
        %xor3A_379 = arith.xori %bitcast3A_378, %shift_left3A_331 : vector<16xi32>
        %bitcast3A_380 = vector.bitcast %xor3A_379 : vector<16xi32> to vector<16xf32>
        %bitcast3A_381 = vector.bitcast %get3A_192 : vector<16xf32> to vector<16xi32>
        %xor3A_382 = arith.xori %bitcast3A_381, %shift_left3A_335 : vector<16xi32>
        %bitcast3A_383 = vector.bitcast %xor3A_382 : vector<16xi32> to vector<16xf32>
        %bitcast3A_384 = vector.bitcast %get3A_197 : vector<16xf32> to vector<16xi32>
        %xor3A_385 = arith.xori %bitcast3A_384, %shift_left3A_339 : vector<16xi32>
        %bitcast3A_386 = vector.bitcast %xor3A_385 : vector<16xi32> to vector<16xf32>
        %exp3A = math.exp %bitcast3A_341 : vector<16xf32>
        %exp3A_387 = math.exp %bitcast3A_344 : vector<16xf32>
        %exp3A_388 = math.exp %bitcast3A_347 : vector<16xf32>
        %exp3A_389 = math.exp %bitcast3A_350 : vector<16xf32>
        %exp3A_390 = math.exp %bitcast3A_353 : vector<16xf32>
        %exp3A_391 = math.exp %bitcast3A_356 : vector<16xf32>
        %exp3A_392 = math.exp %bitcast3A_359 : vector<16xf32>
        %exp3A_393 = math.exp %bitcast3A_362 : vector<16xf32>
        %exp3A_394 = math.exp %bitcast3A_365 : vector<16xf32>
        %exp3A_395 = math.exp %bitcast3A_368 : vector<16xf32>
        %exp3A_396 = math.exp %bitcast3A_371 : vector<16xf32>
        %exp3A_397 = math.exp %bitcast3A_374 : vector<16xf32>
        %exp3A_398 = math.exp %bitcast3A_377 : vector<16xf32>
        %exp3A_399 = math.exp %bitcast3A_380 : vector<16xf32>
        %exp3A_400 = math.exp %bitcast3A_383 : vector<16xf32>
        %exp3A_401 = math.exp %bitcast3A_386 : vector<16xf32>
        %add3A_402 = arith.constant 1.000000e+00 : f32
        %add3A_403 = vector.broadcast %add3A_402 : f32 to vector<16xf32>
        %add3A_404 = arith.addf %add3A_403, %exp3A : vector<16xf32>
        %div3A = arith.constant 1.000000e+00 : f32
        %div3A_405 = vector.broadcast %div3A : f32 to vector<16xf32>
        %div3A_406 = arith.divf %div3A_405, %add3A_404 : vector<16xf32>
        %add3A_407 = arith.constant 1.000000e+00 : f32
        %add3A_408 = vector.broadcast %add3A_407 : f32 to vector<16xf32>
        %add3A_409 = arith.addf %add3A_408, %exp3A_387 : vector<16xf32>
        %div3A_410 = arith.constant 1.000000e+00 : f32
        %div3A_411 = vector.broadcast %div3A_410 : f32 to vector<16xf32>
        %div3A_412 = arith.divf %div3A_411, %add3A_409 : vector<16xf32>
        %add3A_413 = arith.constant 1.000000e+00 : f32
        %add3A_414 = vector.broadcast %add3A_413 : f32 to vector<16xf32>
        %add3A_415 = arith.addf %add3A_414, %exp3A_388 : vector<16xf32>
        %div3A_416 = arith.constant 1.000000e+00 : f32
        %div3A_417 = vector.broadcast %div3A_416 : f32 to vector<16xf32>
        %div3A_418 = arith.divf %div3A_417, %add3A_415 : vector<16xf32>
        %add3A_419 = arith.constant 1.000000e+00 : f32
        %add3A_420 = vector.broadcast %add3A_419 : f32 to vector<16xf32>
        %add3A_421 = arith.addf %add3A_420, %exp3A_389 : vector<16xf32>
        %div3A_422 = arith.constant 1.000000e+00 : f32
        %div3A_423 = vector.broadcast %div3A_422 : f32 to vector<16xf32>
        %div3A_424 = arith.divf %div3A_423, %add3A_421 : vector<16xf32>
        %add3A_425 = arith.constant 1.000000e+00 : f32
        %add3A_426 = vector.broadcast %add3A_425 : f32 to vector<16xf32>
        %add3A_427 = arith.addf %add3A_426, %exp3A_390 : vector<16xf32>
        %div3A_428 = arith.constant 1.000000e+00 : f32
        %div3A_429 = vector.broadcast %div3A_428 : f32 to vector<16xf32>
        %div3A_430 = arith.divf %div3A_429, %add3A_427 : vector<16xf32>
        %add3A_431 = arith.constant 1.000000e+00 : f32
        %add3A_432 = vector.broadcast %add3A_431 : f32 to vector<16xf32>
        %add3A_433 = arith.addf %add3A_432, %exp3A_391 : vector<16xf32>
        %div3A_434 = arith.constant 1.000000e+00 : f32
        %div3A_435 = vector.broadcast %div3A_434 : f32 to vector<16xf32>
        %div3A_436 = arith.divf %div3A_435, %add3A_433 : vector<16xf32>
        %add3A_437 = arith.constant 1.000000e+00 : f32
        %add3A_438 = vector.broadcast %add3A_437 : f32 to vector<16xf32>
        %add3A_439 = arith.addf %add3A_438, %exp3A_392 : vector<16xf32>
        %div3A_440 = arith.constant 1.000000e+00 : f32
        %div3A_441 = vector.broadcast %div3A_440 : f32 to vector<16xf32>
        %div3A_442 = arith.divf %div3A_441, %add3A_439 : vector<16xf32>
        %add3A_443 = arith.constant 1.000000e+00 : f32
        %add3A_444 = vector.broadcast %add3A_443 : f32 to vector<16xf32>
        %add3A_445 = arith.addf %add3A_444, %exp3A_393 : vector<16xf32>
        %div3A_446 = arith.constant 1.000000e+00 : f32
        %div3A_447 = vector.broadcast %div3A_446 : f32 to vector<16xf32>
        %div3A_448 = arith.divf %div3A_447, %add3A_445 : vector<16xf32>
        %add3A_449 = arith.constant 1.000000e+00 : f32
        %add3A_450 = vector.broadcast %add3A_449 : f32 to vector<16xf32>
        %add3A_451 = arith.addf %add3A_450, %exp3A_394 : vector<16xf32>
        %div3A_452 = arith.constant 1.000000e+00 : f32
        %div3A_453 = vector.broadcast %div3A_452 : f32 to vector<16xf32>
        %div3A_454 = arith.divf %div3A_453, %add3A_451 : vector<16xf32>
        %add3A_455 = arith.constant 1.000000e+00 : f32
        %add3A_456 = vector.broadcast %add3A_455 : f32 to vector<16xf32>
        %add3A_457 = arith.addf %add3A_456, %exp3A_395 : vector<16xf32>
        %div3A_458 = arith.constant 1.000000e+00 : f32
        %div3A_459 = vector.broadcast %div3A_458 : f32 to vector<16xf32>
        %div3A_460 = arith.divf %div3A_459, %add3A_457 : vector<16xf32>
        %add3A_461 = arith.constant 1.000000e+00 : f32
        %add3A_462 = vector.broadcast %add3A_461 : f32 to vector<16xf32>
        %add3A_463 = arith.addf %add3A_462, %exp3A_396 : vector<16xf32>
        %div3A_464 = arith.constant 1.000000e+00 : f32
        %div3A_465 = vector.broadcast %div3A_464 : f32 to vector<16xf32>
        %div3A_466 = arith.divf %div3A_465, %add3A_463 : vector<16xf32>
        %add3A_467 = arith.constant 1.000000e+00 : f32
        %add3A_468 = vector.broadcast %add3A_467 : f32 to vector<16xf32>
        %add3A_469 = arith.addf %add3A_468, %exp3A_397 : vector<16xf32>
        %div3A_470 = arith.constant 1.000000e+00 : f32
        %div3A_471 = vector.broadcast %div3A_470 : f32 to vector<16xf32>
        %div3A_472 = arith.divf %div3A_471, %add3A_469 : vector<16xf32>
        %add3A_473 = arith.constant 1.000000e+00 : f32
        %add3A_474 = vector.broadcast %add3A_473 : f32 to vector<16xf32>
        %add3A_475 = arith.addf %add3A_474, %exp3A_398 : vector<16xf32>
        %div3A_476 = arith.constant 1.000000e+00 : f32
        %div3A_477 = vector.broadcast %div3A_476 : f32 to vector<16xf32>
        %div3A_478 = arith.divf %div3A_477, %add3A_475 : vector<16xf32>
        %add3A_479 = arith.constant 1.000000e+00 : f32
        %add3A_480 = vector.broadcast %add3A_479 : f32 to vector<16xf32>
        %add3A_481 = arith.addf %add3A_480, %exp3A_399 : vector<16xf32>
        %div3A_482 = arith.constant 1.000000e+00 : f32
        %div3A_483 = vector.broadcast %div3A_482 : f32 to vector<16xf32>
        %div3A_484 = arith.divf %div3A_483, %add3A_481 : vector<16xf32>
        %add3A_485 = arith.constant 1.000000e+00 : f32
        %add3A_486 = vector.broadcast %add3A_485 : f32 to vector<16xf32>
        %add3A_487 = arith.addf %add3A_486, %exp3A_400 : vector<16xf32>
        %div3A_488 = arith.constant 1.000000e+00 : f32
        %div3A_489 = vector.broadcast %div3A_488 : f32 to vector<16xf32>
        %div3A_490 = arith.divf %div3A_489, %add3A_487 : vector<16xf32>
        %add3A_491 = arith.constant 1.000000e+00 : f32
        %add3A_492 = vector.broadcast %add3A_491 : f32 to vector<16xf32>
        %add3A_493 = arith.addf %add3A_492, %exp3A_401 : vector<16xf32>
        %div3A_494 = arith.constant 1.000000e+00 : f32
        %div3A_495 = vector.broadcast %div3A_494 : f32 to vector<16xf32>
        %div3A_496 = arith.divf %div3A_495, %add3A_493 : vector<16xf32>
        %mul3A_497 = vector.broadcast %scan3A_30 : f32 to vector<16xf32>
        %mul3A_498 = arith.mulf %div3A_406, %mul3A_497 : vector<16xf32>
        %add3A_499 = vector.broadcast %scan3A_31 : f32 to vector<16xf32>
        %add3A_500 = arith.addf %mul3A_498, %add3A_499 : vector<16xf32>
        %bitcast3A_501 = vector.bitcast %add3A_500 : vector<16xf32> to vector<16xi32>
        %add3A_502 = arith.addi %sub3A_8, %bitcast3A_501 : vector<16xi32>
        %mul3A_503 = vector.broadcast %scan3A_30 : f32 to vector<16xf32>
        %mul3A_504 = arith.mulf %div3A_412, %mul3A_503 : vector<16xf32>
        %add3A_505 = vector.broadcast %scan3A_31 : f32 to vector<16xf32>
        %add3A_506 = arith.addf %mul3A_504, %add3A_505 : vector<16xf32>
        %bitcast3A_507 = vector.bitcast %add3A_506 : vector<16xf32> to vector<16xi32>
        %add3A_508 = arith.addi %sub3A_8, %bitcast3A_507 : vector<16xi32>
        %mul3A_509 = vector.broadcast %scan3A_30 : f32 to vector<16xf32>
        %mul3A_510 = arith.mulf %div3A_418, %mul3A_509 : vector<16xf32>
        %add3A_511 = vector.broadcast %scan3A_31 : f32 to vector<16xf32>
        %add3A_512 = arith.addf %mul3A_510, %add3A_511 : vector<16xf32>
        %bitcast3A_513 = vector.bitcast %add3A_512 : vector<16xf32> to vector<16xi32>
        %add3A_514 = arith.addi %sub3A_8, %bitcast3A_513 : vector<16xi32>
        %mul3A_515 = vector.broadcast %scan3A_30 : f32 to vector<16xf32>
        %mul3A_516 = arith.mulf %div3A_424, %mul3A_515 : vector<16xf32>
        %add3A_517 = vector.broadcast %scan3A_31 : f32 to vector<16xf32>
        %add3A_518 = arith.addf %mul3A_516, %add3A_517 : vector<16xf32>
        %bitcast3A_519 = vector.bitcast %add3A_518 : vector<16xf32> to vector<16xi32>
        %add3A_520 = arith.addi %sub3A_8, %bitcast3A_519 : vector<16xi32>
        %mul3A_521 = vector.broadcast %scan3A_30 : f32 to vector<16xf32>
        %mul3A_522 = arith.mulf %div3A_430, %mul3A_521 : vector<16xf32>
        %add3A_523 = vector.broadcast %scan3A_31 : f32 to vector<16xf32>
        %add3A_524 = arith.addf %mul3A_522, %add3A_523 : vector<16xf32>
        %bitcast3A_525 = vector.bitcast %add3A_524 : vector<16xf32> to vector<16xi32>
        %add3A_526 = arith.addi %sub3A_8, %bitcast3A_525 : vector<16xi32>
        %mul3A_527 = vector.broadcast %scan3A_30 : f32 to vector<16xf32>
        %mul3A_528 = arith.mulf %div3A_436, %mul3A_527 : vector<16xf32>
        %add3A_529 = vector.broadcast %scan3A_31 : f32 to vector<16xf32>
        %add3A_530 = arith.addf %mul3A_528, %add3A_529 : vector<16xf32>
        %bitcast3A_531 = vector.bitcast %add3A_530 : vector<16xf32> to vector<16xi32>
        %add3A_532 = arith.addi %sub3A_8, %bitcast3A_531 : vector<16xi32>
        %mul3A_533 = vector.broadcast %scan3A_30 : f32 to vector<16xf32>
        %mul3A_534 = arith.mulf %div3A_442, %mul3A_533 : vector<16xf32>
        %add3A_535 = vector.broadcast %scan3A_31 : f32 to vector<16xf32>
        %add3A_536 = arith.addf %mul3A_534, %add3A_535 : vector<16xf32>
        %bitcast3A_537 = vector.bitcast %add3A_536 : vector<16xf32> to vector<16xi32>
        %add3A_538 = arith.addi %sub3A_8, %bitcast3A_537 : vector<16xi32>
        %mul3A_539 = vector.broadcast %scan3A_30 : f32 to vector<16xf32>
        %mul3A_540 = arith.mulf %div3A_448, %mul3A_539 : vector<16xf32>
        %add3A_541 = vector.broadcast %scan3A_31 : f32 to vector<16xf32>
        %add3A_542 = arith.addf %mul3A_540, %add3A_541 : vector<16xf32>
        %bitcast3A_543 = vector.bitcast %add3A_542 : vector<16xf32> to vector<16xi32>
        %add3A_544 = arith.addi %sub3A_8, %bitcast3A_543 : vector<16xi32>
        %mul3A_545 = vector.broadcast %scan3A_30 : f32 to vector<16xf32>
        %mul3A_546 = arith.mulf %div3A_454, %mul3A_545 : vector<16xf32>
        %add3A_547 = vector.broadcast %scan3A_31 : f32 to vector<16xf32>
        %add3A_548 = arith.addf %mul3A_546, %add3A_547 : vector<16xf32>
        %bitcast3A_549 = vector.bitcast %add3A_548 : vector<16xf32> to vector<16xi32>
        %add3A_550 = arith.addi %sub3A_8, %bitcast3A_549 : vector<16xi32>
        %mul3A_551 = vector.broadcast %scan3A_30 : f32 to vector<16xf32>
        %mul3A_552 = arith.mulf %div3A_460, %mul3A_551 : vector<16xf32>
        %add3A_553 = vector.broadcast %scan3A_31 : f32 to vector<16xf32>
        %add3A_554 = arith.addf %mul3A_552, %add3A_553 : vector<16xf32>
        %bitcast3A_555 = vector.bitcast %add3A_554 : vector<16xf32> to vector<16xi32>
        %add3A_556 = arith.addi %sub3A_8, %bitcast3A_555 : vector<16xi32>
        %mul3A_557 = vector.broadcast %scan3A_30 : f32 to vector<16xf32>
        %mul3A_558 = arith.mulf %div3A_466, %mul3A_557 : vector<16xf32>
        %add3A_559 = vector.broadcast %scan3A_31 : f32 to vector<16xf32>
        %add3A_560 = arith.addf %mul3A_558, %add3A_559 : vector<16xf32>
        %bitcast3A_561 = vector.bitcast %add3A_560 : vector<16xf32> to vector<16xi32>
        %add3A_562 = arith.addi %sub3A_8, %bitcast3A_561 : vector<16xi32>
        %mul3A_563 = vector.broadcast %scan3A_30 : f32 to vector<16xf32>
        %mul3A_564 = arith.mulf %div3A_472, %mul3A_563 : vector<16xf32>
        %add3A_565 = vector.broadcast %scan3A_31 : f32 to vector<16xf32>
        %add3A_566 = arith.addf %mul3A_564, %add3A_565 : vector<16xf32>
        %bitcast3A_567 = vector.bitcast %add3A_566 : vector<16xf32> to vector<16xi32>
        %add3A_568 = arith.addi %sub3A_8, %bitcast3A_567 : vector<16xi32>
        %mul3A_569 = vector.broadcast %scan3A_30 : f32 to vector<16xf32>
        %mul3A_570 = arith.mulf %div3A_478, %mul3A_569 : vector<16xf32>
        %add3A_571 = vector.broadcast %scan3A_31 : f32 to vector<16xf32>
        %add3A_572 = arith.addf %mul3A_570, %add3A_571 : vector<16xf32>
        %bitcast3A_573 = vector.bitcast %add3A_572 : vector<16xf32> to vector<16xi32>
        %add3A_574 = arith.addi %sub3A_8, %bitcast3A_573 : vector<16xi32>
        %mul3A_575 = vector.broadcast %scan3A_30 : f32 to vector<16xf32>
        %mul3A_576 = arith.mulf %div3A_484, %mul3A_575 : vector<16xf32>
        %add3A_577 = vector.broadcast %scan3A_31 : f32 to vector<16xf32>
        %add3A_578 = arith.addf %mul3A_576, %add3A_577 : vector<16xf32>
        %bitcast3A_579 = vector.bitcast %add3A_578 : vector<16xf32> to vector<16xi32>
        %add3A_580 = arith.addi %sub3A_8, %bitcast3A_579 : vector<16xi32>
        %mul3A_581 = vector.broadcast %scan3A_30 : f32 to vector<16xf32>
        %mul3A_582 = arith.mulf %div3A_490, %mul3A_581 : vector<16xf32>
        %add3A_583 = vector.broadcast %scan3A_31 : f32 to vector<16xf32>
        %add3A_584 = arith.addf %mul3A_582, %add3A_583 : vector<16xf32>
        %bitcast3A_585 = vector.bitcast %add3A_584 : vector<16xf32> to vector<16xi32>
        %add3A_586 = arith.addi %sub3A_8, %bitcast3A_585 : vector<16xi32>
        %mul3A_587 = vector.broadcast %scan3A_30 : f32 to vector<16xf32>
        %mul3A_588 = arith.mulf %div3A_496, %mul3A_587 : vector<16xf32>
        %add3A_589 = vector.broadcast %scan3A_31 : f32 to vector<16xf32>
        %add3A_590 = arith.addf %mul3A_588, %add3A_589 : vector<16xf32>
        %bitcast3A_591 = vector.bitcast %add3A_590 : vector<16xf32> to vector<16xi32>
        %add3A_592 = arith.addi %sub3A_8, %bitcast3A_591 : vector<16xi32>
        %shift_right_logical3A = arith.constant 16 : i32
        %shift_right_logical3A_593 = vector.broadcast %shift_right_logical3A : i32 to vector<16xi32>
        %shift_right_logical3A_594 = arith.shrui %shift_left3A_279, %shift_right_logical3A_593 : vector<16xi32>
        %add3A_595 = arith.constant 1 : i32
        %add3A_596 = vector.broadcast %add3A_595 : i32 to vector<16xi32>
        %add3A_597 = arith.addi %shift_right_logical3A_594, %add3A_596 : vector<16xi32>
        %shift_right_logical3A_598 = arith.constant 16 : i32
        %shift_right_logical3A_599 = vector.broadcast %shift_right_logical3A_598 : i32 to vector<16xi32>
        %shift_right_logical3A_600 = arith.shrui %shift_left3A_283, %shift_right_logical3A_599 : vector<16xi32>
        %add3A_601 = arith.constant 1 : i32
        %add3A_602 = vector.broadcast %add3A_601 : i32 to vector<16xi32>
        %add3A_603 = arith.addi %shift_right_logical3A_600, %add3A_602 : vector<16xi32>
        %shift_right_logical3A_604 = arith.constant 16 : i32
        %shift_right_logical3A_605 = vector.broadcast %shift_right_logical3A_604 : i32 to vector<16xi32>
        %shift_right_logical3A_606 = arith.shrui %shift_left3A_287, %shift_right_logical3A_605 : vector<16xi32>
        %add3A_607 = arith.constant 1 : i32
        %add3A_608 = vector.broadcast %add3A_607 : i32 to vector<16xi32>
        %add3A_609 = arith.addi %shift_right_logical3A_606, %add3A_608 : vector<16xi32>
        %shift_right_logical3A_610 = arith.constant 16 : i32
        %shift_right_logical3A_611 = vector.broadcast %shift_right_logical3A_610 : i32 to vector<16xi32>
        %shift_right_logical3A_612 = arith.shrui %shift_left3A_291, %shift_right_logical3A_611 : vector<16xi32>
        %add3A_613 = arith.constant 1 : i32
        %add3A_614 = vector.broadcast %add3A_613 : i32 to vector<16xi32>
        %add3A_615 = arith.addi %shift_right_logical3A_612, %add3A_614 : vector<16xi32>
        %shift_right_logical3A_616 = arith.constant 16 : i32
        %shift_right_logical3A_617 = vector.broadcast %shift_right_logical3A_616 : i32 to vector<16xi32>
        %shift_right_logical3A_618 = arith.shrui %shift_left3A_295, %shift_right_logical3A_617 : vector<16xi32>
        %add3A_619 = arith.constant 1 : i32
        %add3A_620 = vector.broadcast %add3A_619 : i32 to vector<16xi32>
        %add3A_621 = arith.addi %shift_right_logical3A_618, %add3A_620 : vector<16xi32>
        %shift_right_logical3A_622 = arith.constant 16 : i32
        %shift_right_logical3A_623 = vector.broadcast %shift_right_logical3A_622 : i32 to vector<16xi32>
        %shift_right_logical3A_624 = arith.shrui %shift_left3A_299, %shift_right_logical3A_623 : vector<16xi32>
        %add3A_625 = arith.constant 1 : i32
        %add3A_626 = vector.broadcast %add3A_625 : i32 to vector<16xi32>
        %add3A_627 = arith.addi %shift_right_logical3A_624, %add3A_626 : vector<16xi32>
        %shift_right_logical3A_628 = arith.constant 16 : i32
        %shift_right_logical3A_629 = vector.broadcast %shift_right_logical3A_628 : i32 to vector<16xi32>
        %shift_right_logical3A_630 = arith.shrui %shift_left3A_303, %shift_right_logical3A_629 : vector<16xi32>
        %add3A_631 = arith.constant 1 : i32
        %add3A_632 = vector.broadcast %add3A_631 : i32 to vector<16xi32>
        %add3A_633 = arith.addi %shift_right_logical3A_630, %add3A_632 : vector<16xi32>
        %shift_right_logical3A_634 = arith.constant 16 : i32
        %shift_right_logical3A_635 = vector.broadcast %shift_right_logical3A_634 : i32 to vector<16xi32>
        %shift_right_logical3A_636 = arith.shrui %shift_left3A_307, %shift_right_logical3A_635 : vector<16xi32>
        %add3A_637 = arith.constant 1 : i32
        %add3A_638 = vector.broadcast %add3A_637 : i32 to vector<16xi32>
        %add3A_639 = arith.addi %shift_right_logical3A_636, %add3A_638 : vector<16xi32>
        %shift_right_logical3A_640 = arith.constant 16 : i32
        %shift_right_logical3A_641 = vector.broadcast %shift_right_logical3A_640 : i32 to vector<16xi32>
        %shift_right_logical3A_642 = arith.shrui %shift_left3A_311, %shift_right_logical3A_641 : vector<16xi32>
        %add3A_643 = arith.constant 1 : i32
        %add3A_644 = vector.broadcast %add3A_643 : i32 to vector<16xi32>
        %add3A_645 = arith.addi %shift_right_logical3A_642, %add3A_644 : vector<16xi32>
        %shift_right_logical3A_646 = arith.constant 16 : i32
        %shift_right_logical3A_647 = vector.broadcast %shift_right_logical3A_646 : i32 to vector<16xi32>
        %shift_right_logical3A_648 = arith.shrui %shift_left3A_315, %shift_right_logical3A_647 : vector<16xi32>
        %add3A_649 = arith.constant 1 : i32
        %add3A_650 = vector.broadcast %add3A_649 : i32 to vector<16xi32>
        %add3A_651 = arith.addi %shift_right_logical3A_648, %add3A_650 : vector<16xi32>
        %shift_right_logical3A_652 = arith.constant 16 : i32
        %shift_right_logical3A_653 = vector.broadcast %shift_right_logical3A_652 : i32 to vector<16xi32>
        %shift_right_logical3A_654 = arith.shrui %shift_left3A_319, %shift_right_logical3A_653 : vector<16xi32>
        %add3A_655 = arith.constant 1 : i32
        %add3A_656 = vector.broadcast %add3A_655 : i32 to vector<16xi32>
        %add3A_657 = arith.addi %shift_right_logical3A_654, %add3A_656 : vector<16xi32>
        %shift_right_logical3A_658 = arith.constant 16 : i32
        %shift_right_logical3A_659 = vector.broadcast %shift_right_logical3A_658 : i32 to vector<16xi32>
        %shift_right_logical3A_660 = arith.shrui %shift_left3A_323, %shift_right_logical3A_659 : vector<16xi32>
        %add3A_661 = arith.constant 1 : i32
        %add3A_662 = vector.broadcast %add3A_661 : i32 to vector<16xi32>
        %add3A_663 = arith.addi %shift_right_logical3A_660, %add3A_662 : vector<16xi32>
        %shift_right_logical3A_664 = arith.constant 16 : i32
        %shift_right_logical3A_665 = vector.broadcast %shift_right_logical3A_664 : i32 to vector<16xi32>
        %shift_right_logical3A_666 = arith.shrui %shift_left3A_327, %shift_right_logical3A_665 : vector<16xi32>
        %add3A_667 = arith.constant 1 : i32
        %add3A_668 = vector.broadcast %add3A_667 : i32 to vector<16xi32>
        %add3A_669 = arith.addi %shift_right_logical3A_666, %add3A_668 : vector<16xi32>
        %shift_right_logical3A_670 = arith.constant 16 : i32
        %shift_right_logical3A_671 = vector.broadcast %shift_right_logical3A_670 : i32 to vector<16xi32>
        %shift_right_logical3A_672 = arith.shrui %shift_left3A_331, %shift_right_logical3A_671 : vector<16xi32>
        %add3A_673 = arith.constant 1 : i32
        %add3A_674 = vector.broadcast %add3A_673 : i32 to vector<16xi32>
        %add3A_675 = arith.addi %shift_right_logical3A_672, %add3A_674 : vector<16xi32>
        %shift_right_logical3A_676 = arith.constant 16 : i32
        %shift_right_logical3A_677 = vector.broadcast %shift_right_logical3A_676 : i32 to vector<16xi32>
        %shift_right_logical3A_678 = arith.shrui %shift_left3A_335, %shift_right_logical3A_677 : vector<16xi32>
        %add3A_679 = arith.constant 1 : i32
        %add3A_680 = vector.broadcast %add3A_679 : i32 to vector<16xi32>
        %add3A_681 = arith.addi %shift_right_logical3A_678, %add3A_680 : vector<16xi32>
        %shift_right_logical3A_682 = arith.constant 16 : i32
        %shift_right_logical3A_683 = vector.broadcast %shift_right_logical3A_682 : i32 to vector<16xi32>
        %shift_right_logical3A_684 = arith.shrui %shift_left3A_339, %shift_right_logical3A_683 : vector<16xi32>
        %add3A_685 = arith.constant 1 : i32
        %add3A_686 = vector.broadcast %add3A_685 : i32 to vector<16xi32>
        %add3A_687 = arith.addi %shift_right_logical3A_684, %add3A_686 : vector<16xi32>
        tpu.vector_store_idx %arg10[%add3A_502], %add3A_597 {add = true} : memref<16400xi32, #tpu.memory_space<vmem>>[vector<16xi32>], vector<16xi32>,
        tpu.vector_store_idx %arg11[%add3A_502], %div3A_406 {add = true} : memref<16400xf32, #tpu.memory_space<vmem>>[vector<16xi32>], vector<16xf32>,
        tpu.vector_store_idx %arg10[%add3A_508], %add3A_603 {add = true} : memref<16400xi32, #tpu.memory_space<vmem>>[vector<16xi32>], vector<16xi32>,
        tpu.vector_store_idx %arg11[%add3A_508], %div3A_412 {add = true} : memref<16400xf32, #tpu.memory_space<vmem>>[vector<16xi32>], vector<16xf32>,
        tpu.vector_store_idx %arg10[%add3A_514], %add3A_609 {add = true} : memref<16400xi32, #tpu.memory_space<vmem>>[vector<16xi32>], vector<16xi32>,
        tpu.vector_store_idx %arg11[%add3A_514], %div3A_418 {add = true} : memref<16400xf32, #tpu.memory_space<vmem>>[vector<16xi32>], vector<16xf32>,
        tpu.vector_store_idx %arg10[%add3A_520], %add3A_615 {add = true} : memref<16400xi32, #tpu.memory_space<vmem>>[vector<16xi32>], vector<16xi32>,
        tpu.vector_store_idx %arg11[%add3A_520], %div3A_424 {add = true} : memref<16400xf32, #tpu.memory_space<vmem>>[vector<16xi32>], vector<16xf32>,
        tpu.vector_store_idx %arg10[%add3A_526], %add3A_621 {add = true} : memref<16400xi32, #tpu.memory_space<vmem>>[vector<16xi32>], vector<16xi32>,
        tpu.vector_store_idx %arg11[%add3A_526], %div3A_430 {add = true} : memref<16400xf32, #tpu.memory_space<vmem>>[vector<16xi32>], vector<16xf32>,
        tpu.vector_store_idx %arg10[%add3A_532], %add3A_627 {add = true} : memref<16400xi32, #tpu.memory_space<vmem>>[vector<16xi32>], vector<16xi32>,
        tpu.vector_store_idx %arg11[%add3A_532], %div3A_436 {add = true} : memref<16400xf32, #tpu.memory_space<vmem>>[vector<16xi32>], vector<16xf32>,
        tpu.vector_store_idx %arg10[%add3A_538], %add3A_633 {add = true} : memref<16400xi32, #tpu.memory_space<vmem>>[vector<16xi32>], vector<16xi32>,
        tpu.vector_store_idx %arg11[%add3A_538], %div3A_442 {add = true} : memref<16400xf32, #tpu.memory_space<vmem>>[vector<16xi32>], vector<16xf32>,
        tpu.vector_store_idx %arg10[%add3A_544], %add3A_639 {add = true} : memref<16400xi32, #tpu.memory_space<vmem>>[vector<16xi32>], vector<16xi32>,
        tpu.vector_store_idx %arg11[%add3A_544], %div3A_448 {add = true} : memref<16400xf32, #tpu.memory_space<vmem>>[vector<16xi32>], vector<16xf32>,
        tpu.vector_store_idx %arg10[%add3A_550], %add3A_645 {add = true} : memref<16400xi32, #tpu.memory_space<vmem>>[vector<16xi32>], vector<16xi32>,
        tpu.vector_store_idx %arg11[%add3A_550], %div3A_454 {add = true} : memref<16400xf32, #tpu.memory_space<vmem>>[vector<16xi32>], vector<16xf32>,
        tpu.vector_store_idx %arg10[%add3A_556], %add3A_651 {add = true} : memref<16400xi32, #tpu.memory_space<vmem>>[vector<16xi32>], vector<16xi32>,
        tpu.vector_store_idx %arg11[%add3A_556], %div3A_460 {add = true} : memref<16400xf32, #tpu.memory_space<vmem>>[vector<16xi32>], vector<16xf32>,
        tpu.vector_store_idx %arg10[%add3A_562], %add3A_657 {add = true} : memref<16400xi32, #tpu.memory_space<vmem>>[vector<16xi32>], vector<16xi32>,
        tpu.vector_store_idx %arg11[%add3A_562], %div3A_466 {add = true} : memref<16400xf32, #tpu.memory_space<vmem>>[vector<16xi32>], vector<16xf32>,
        tpu.vector_store_idx %arg10[%add3A_568], %add3A_663 {add = true} : memref<16400xi32, #tpu.memory_space<vmem>>[vector<16xi32>], vector<16xi32>,
        tpu.vector_store_idx %arg11[%add3A_568], %div3A_472 {add = true} : memref<16400xf32, #tpu.memory_space<vmem>>[vector<16xi32>], vector<16xf32>,
        tpu.vector_store_idx %arg10[%add3A_574], %add3A_669 {add = true} : memref<16400xi32, #tpu.memory_space<vmem>>[vector<16xi32>], vector<16xi32>,
        tpu.vector_store_idx %arg11[%add3A_574], %div3A_478 {add = true} : memref<16400xf32, #tpu.memory_space<vmem>>[vector<16xi32>], vector<16xf32>,
        tpu.vector_store_idx %arg10[%add3A_580], %add3A_675 {add = true} : memref<16400xi32, #tpu.memory_space<vmem>>[vector<16xi32>], vector<16xi32>,
        tpu.vector_store_idx %arg11[%add3A_580], %div3A_484 {add = true} : memref<16400xf32, #tpu.memory_space<vmem>>[vector<16xi32>], vector<16xf32>,
        tpu.vector_store_idx %arg10[%add3A_586], %add3A_681 {add = true} : memref<16400xi32, #tpu.memory_space<vmem>>[vector<16xi32>], vector<16xi32>,
        tpu.vector_store_idx %arg11[%add3A_586], %div3A_490 {add = true} : memref<16400xf32, #tpu.memory_space<vmem>>[vector<16xi32>], vector<16xf32>,
        tpu.vector_store_idx %arg10[%add3A_592], %add3A_687 {add = true} : memref<16400xi32, #tpu.memory_space<vmem>>[vector<16xi32>], vector<16xi32>,
        tpu.vector_store_idx %arg11[%add3A_592], %div3A_496 {add = true} : memref<16400xf32, #tpu.memory_space<vmem>>[vector<16xi32>], vector<16xf32>,
        %scan3A_688 = arith.constant 0 : i32
        scf.yield %scan3A_688 : i32
      }
      %scan3A_82 = arith.constant 64 : i32
      %add3A_83 = arith.constant 2 : i32
      %add3A_84 = arith.addi %mul3A_42, %add3A_83 : i32
      %lt3A = arith.constant 16 : i32
      %lt3A_85 = arith.cmpi slt, %add3A_84, %lt3A : i32
      %convert_element_type3A = arith.extui %lt3A_85 : i1 to i32
      %cond3A = arith.constant 0 : i32
      %cond3A_86 = arith.cmpi ne, %convert_element_type3A, %cond3A : i32
      scf.if %cond3A_86 {
        %add3A_113 = arith.constant 2 : i32
        %add3A_114 = arith.addi %mul3A_42, %add3A_113 : i32
        %mul3A_115 = arith.constant 32 : i32
        %mul3A_116 = arith.muli %add3A_114, %mul3A_115 : i32
        %dma_start3A_117 = arith.constant 0 : i32
        %dma_start3A_118 = tpu.memref_slice %arg2[%add3A, %mul3A_116, %dma_start3A_117] : memref<32x512x512xf32, #tpu.memory_space<hbm>> -> memref<1x32x512xf32, #tpu.memory_space<hbm>>
        %dma_start3A_119 = tpu.memref_squeeze %dma_start3A_118 : memref<1x32x512xf32, #tpu.memory_space<hbm>> -> memref<32x512xf32, #tpu.memory_space<hbm>>
        %dma_start3A_120 = arith.constant 0 : i32
        %dma_start3A_121 = tpu.memref_slice %arg2[%add3A, %mul3A_116, %dma_start3A_120] : memref<32x512x512xf32, #tpu.memory_space<hbm>> -> memref<1x32x512xf32, #tpu.memory_space<hbm>>
        %dma_start3A_122 = tpu.memref_squeeze %dma_start3A_121 : memref<1x32x512xf32, #tpu.memory_space<hbm>> -> memref<32x512xf32, #tpu.memory_space<hbm>>
        tpu.enqueue_dma source(%dma_start3A_122 : memref<32x512xf32, #tpu.memory_space<hbm>>) target(%arg6 : memref<32x512xf32, #tpu.memory_space<vmem>>) target_semaphore(%arg12 : memref<!tpu.dma_semaphore, #tpu.memory_space<semaphore_mem>>)
        %dma_start3A_123 = arith.constant 0 : i32
        %dma_start3A_124 = tpu.memref_slice %arg3[%add3A, %mul3A_116, %dma_start3A_123] : memref<32x512x512xf32, #tpu.memory_space<hbm>> -> memref<1x32x512xf32, #tpu.memory_space<hbm>>
        %dma_start3A_125 = tpu.memref_squeeze %dma_start3A_124 : memref<1x32x512xf32, #tpu.memory_space<hbm>> -> memref<32x512xf32, #tpu.memory_space<hbm>>
        %dma_start3A_126 = arith.constant 0 : i32
        %dma_start3A_127 = tpu.memref_slice %arg3[%add3A, %mul3A_116, %dma_start3A_126] : memref<32x512x512xf32, #tpu.memory_space<hbm>> -> memref<1x32x512xf32, #tpu.memory_space<hbm>>
        %dma_start3A_128 = tpu.memref_squeeze %dma_start3A_127 : memref<1x32x512xf32, #tpu.memory_space<hbm>> -> memref<32x512xf32, #tpu.memory_space<hbm>>
        tpu.enqueue_dma source(%dma_start3A_128 : memref<32x512xf32, #tpu.memory_space<hbm>>) target(%arg7 : memref<32x512xf32, #tpu.memory_space<vmem>>) target_semaphore(%arg12 : memref<!tpu.dma_semaphore, #tpu.memory_space<semaphore_mem>>)
      } else {
      }
      %dma_wait3A_87 = arith.constant 0 : i32
      %dma_wait3A_88 = arith.constant 0 : i32
      %dma_wait3A_89 = arith.constant 0 : i32
      %dma_wait3A_90 = tpu.memref_slice %arg2[%dma_wait3A_87, %dma_wait3A_88, %dma_wait3A_89] : memref<32x512x512xf32, #tpu.memory_space<hbm>> -> memref<1x32x512xf32, #tpu.memory_space<hbm>>
      %dma_wait3A_91 = tpu.memref_squeeze %dma_wait3A_90 : memref<1x32x512xf32, #tpu.memory_space<hbm>> -> memref<32x512xf32, #tpu.memory_space<hbm>>
      %dma_wait3A_92 = arith.constant 0 : i32
      %dma_wait3A_93 = arith.constant 0 : i32
      %dma_wait3A_94 = tpu.memref_slice %arg2[%dma_wait3A_87, %dma_wait3A_92, %dma_wait3A_93] : memref<32x512x512xf32, #tpu.memory_space<hbm>> -> memref<1x32x512xf32, #tpu.memory_space<hbm>>
      %dma_wait3A_95 = tpu.memref_squeeze %dma_wait3A_94 : memref<1x32x512xf32, #tpu.memory_space<hbm>> -> memref<32x512xf32, #tpu.memory_space<hbm>>
      tpu.wait_dma2 semaphore(%arg13 : memref<!tpu.dma_semaphore, #tpu.memory_space<semaphore_mem>>) src(%dma_wait3A_95 : memref<32x512xf32, #tpu.memory_space<hbm>>) dst(%arg8 : memref<32x512xf32, #tpu.memory_space<vmem>>)
      %dma_wait3A_96 = arith.constant 0 : i32
      %dma_wait3A_97 = arith.constant 0 : i32
      %dma_wait3A_98 = arith.constant 0 : i32
      %dma_wait3A_99 = tpu.memref_slice %arg3[%dma_wait3A_96, %dma_wait3A_97, %dma_wait3A_98] : memref<32x512x512xf32, #tpu.memory_space<hbm>> -> memref<1x32x512xf32, #tpu.memory_space<hbm>>
      %dma_wait3A_100 = tpu.memref_squeeze %dma_wait3A_99 : memref<1x32x512xf32, #tpu.memory_space<hbm>> -> memref<32x512xf32, #tpu.memory_space<hbm>>
      %dma_wait3A_101 = arith.constant 0 : i32
      %dma_wait3A_102 = arith.constant 0 : i32
      %dma_wait3A_103 = tpu.memref_slice %arg3[%dma_wait3A_96, %dma_wait3A_101, %dma_wait3A_102] : memref<32x512x512xf32, #tpu.memory_space<hbm>> -> memref<1x32x512xf32, #tpu.memory_space<hbm>>
      %dma_wait3A_104 = tpu.memref_squeeze %dma_wait3A_103 : memref<1x32x512xf32, #tpu.memory_space<hbm>> -> memref<32x512xf32, #tpu.memory_space<hbm>>
      tpu.wait_dma2 semaphore(%arg13 : memref<!tpu.dma_semaphore, #tpu.memory_space<semaphore_mem>>) src(%dma_wait3A_104 : memref<32x512xf32, #tpu.memory_space<hbm>>) dst(%arg9 : memref<32x512xf32, #tpu.memory_space<vmem>>)
      %scan3A_105 = arith.constant 0 : i32
      %scan3A_106 = arith.constant 0 : i32
      %scan3A_107 = arith.constant 64 : i32
      %scan3A_108 = arith.addi %scan3A_106, %scan3A_107 : i32
      %scan3A_109 = arith.constant 1 : i32
      %scan3A_110 = scf.for %scan3A_113 = %scan3A_106 to %scan3A_108 step %scan3A_109 iter_args(%scan3A_114 = %scan3A_105) -> (i32)  : i32 {
        %shift_right_arithmetic3A = arith.constant 1 : i32
        %shift_right_arithmetic3A_115 = arith.shrsi %scan3A_113, %shift_right_arithmetic3A : i32
        %and3A = arith.constant 1 : i32
        %and3A_116 = arith.andi %scan3A_113, %and3A : i32
        %mul3A_117 = arith.constant 256 : i32
        %mul3A_118 = arith.muli %and3A_116, %mul3A_117 : i32
        %add3A_119 = arith.constant 0 : i32
        %add3A_120 = arith.addi %mul3A_118, %add3A_119 : i32
        %get3A = arith.index_cast %shift_right_arithmetic3A_115 : i32 to index
        %get3A_121 = arith.index_cast %add3A_120 : i32 to index
        %get3A_122 = tpu.vector_load %arg8[%get3A, %get3A_121] {strides = array<i32>} : memref<32x512xf32, #tpu.memory_space<vmem>>, vector<16xf32>,
        %add3A_123 = arith.constant 16 : i32
        %add3A_124 = arith.addi %mul3A_118, %add3A_123 : i32
        %get3A_125 = arith.index_cast %shift_right_arithmetic3A_115 : i32 to index
        %get3A_126 = arith.index_cast %add3A_124 : i32 to index
        %get3A_127 = tpu.vector_load %arg8[%get3A_125, %get3A_126] {strides = array<i32>} : memref<32x512xf32, #tpu.memory_space<vmem>>, vector<16xf32>,
        %add3A_128 = arith.constant 32 : i32
        %add3A_129 = arith.addi %mul3A_118, %add3A_128 : i32
        %get3A_130 = arith.index_cast %shift_right_arithmetic3A_115 : i32 to index
        %get3A_131 = arith.index_cast %add3A_129 : i32 to index
        %get3A_132 = tpu.vector_load %arg8[%get3A_130, %get3A_131] {strides = array<i32>} : memref<32x512xf32, #tpu.memory_space<vmem>>, vector<16xf32>,
        %add3A_133 = arith.constant 48 : i32
        %add3A_134 = arith.addi %mul3A_118, %add3A_133 : i32
        %get3A_135 = arith.index_cast %shift_right_arithmetic3A_115 : i32 to index
        %get3A_136 = arith.index_cast %add3A_134 : i32 to index
        %get3A_137 = tpu.vector_load %arg8[%get3A_135, %get3A_136] {strides = array<i32>} : memref<32x512xf32, #tpu.memory_space<vmem>>, vector<16xf32>,
        %add3A_138 = arith.constant 64 : i32
        %add3A_139 = arith.addi %mul3A_118, %add3A_138 : i32
        %get3A_140 = arith.index_cast %shift_right_arithmetic3A_115 : i32 to index
        %get3A_141 = arith.index_cast %add3A_139 : i32 to index
        %get3A_142 = tpu.vector_load %arg8[%get3A_140, %get3A_141] {strides = array<i32>} : memref<32x512xf32, #tpu.memory_space<vmem>>, vector<16xf32>,
        %add3A_143 = arith.constant 80 : i32
        %add3A_144 = arith.addi %mul3A_118, %add3A_143 : i32
        %get3A_145 = arith.index_cast %shift_right_arithmetic3A_115 : i32 to index
        %get3A_146 = arith.index_cast %add3A_144 : i32 to index
        %get3A_147 = tpu.vector_load %arg8[%get3A_145, %get3A_146] {strides = array<i32>} : memref<32x512xf32, #tpu.memory_space<vmem>>, vector<16xf32>,
        %add3A_148 = arith.constant 96 : i32
        %add3A_149 = arith.addi %mul3A_118, %add3A_148 : i32
        %get3A_150 = arith.index_cast %shift_right_arithmetic3A_115 : i32 to index
        %get3A_151 = arith.index_cast %add3A_149 : i32 to index
        %get3A_152 = tpu.vector_load %arg8[%get3A_150, %get3A_151] {strides = array<i32>} : memref<32x512xf32, #tpu.memory_space<vmem>>, vector<16xf32>,
        %add3A_153 = arith.constant 112 : i32
        %add3A_154 = arith.addi %mul3A_118, %add3A_153 : i32
        %get3A_155 = arith.index_cast %shift_right_arithmetic3A_115 : i32 to index
        %get3A_156 = arith.index_cast %add3A_154 : i32 to index
        %get3A_157 = tpu.vector_load %arg8[%get3A_155, %get3A_156] {strides = array<i32>} : memref<32x512xf32, #tpu.memory_space<vmem>>, vector<16xf32>,
        %add3A_158 = arith.constant 128 : i32
        %add3A_159 = arith.addi %mul3A_118, %add3A_158 : i32
        %get3A_160 = arith.index_cast %shift_right_arithmetic3A_115 : i32 to index
        %get3A_161 = arith.index_cast %add3A_159 : i32 to index
        %get3A_162 = tpu.vector_load %arg8[%get3A_160, %get3A_161] {strides = array<i32>} : memref<32x512xf32, #tpu.memory_space<vmem>>, vector<16xf32>,
        %add3A_163 = arith.constant 144 : i32
        %add3A_164 = arith.addi %mul3A_118, %add3A_163 : i32
        %get3A_165 = arith.index_cast %shift_right_arithmetic3A_115 : i32 to index
        %get3A_166 = arith.index_cast %add3A_164 : i32 to index
        %get3A_167 = tpu.vector_load %arg8[%get3A_165, %get3A_166] {strides = array<i32>} : memref<32x512xf32, #tpu.memory_space<vmem>>, vector<16xf32>,
        %add3A_168 = arith.constant 160 : i32
        %add3A_169 = arith.addi %mul3A_118, %add3A_168 : i32
        %get3A_170 = arith.index_cast %shift_right_arithmetic3A_115 : i32 to index
        %get3A_171 = arith.index_cast %add3A_169 : i32 to index
        %get3A_172 = tpu.vector_load %arg8[%get3A_170, %get3A_171] {strides = array<i32>} : memref<32x512xf32, #tpu.memory_space<vmem>>, vector<16xf32>,
        %add3A_173 = arith.constant 176 : i32
        %add3A_174 = arith.addi %mul3A_118, %add3A_173 : i32
        %get3A_175 = arith.index_cast %shift_right_arithmetic3A_115 : i32 to index
        %get3A_176 = arith.index_cast %add3A_174 : i32 to index
        %get3A_177 = tpu.vector_load %arg8[%get3A_175, %get3A_176] {strides = array<i32>} : memref<32x512xf32, #tpu.memory_space<vmem>>, vector<16xf32>,
        %add3A_178 = arith.constant 192 : i32
        %add3A_179 = arith.addi %mul3A_118, %add3A_178 : i32
        %get3A_180 = arith.index_cast %shift_right_arithmetic3A_115 : i32 to index
        %get3A_181 = arith.index_cast %add3A_179 : i32 to index
        %get3A_182 = tpu.vector_load %arg8[%get3A_180, %get3A_181] {strides = array<i32>} : memref<32x512xf32, #tpu.memory_space<vmem>>, vector<16xf32>,
        %add3A_183 = arith.constant 208 : i32
        %add3A_184 = arith.addi %mul3A_118, %add3A_183 : i32
        %get3A_185 = arith.index_cast %shift_right_arithmetic3A_115 : i32 to index
        %get3A_186 = arith.index_cast %add3A_184 : i32 to index
        %get3A_187 = tpu.vector_load %arg8[%get3A_185, %get3A_186] {strides = array<i32>} : memref<32x512xf32, #tpu.memory_space<vmem>>, vector<16xf32>,
        %add3A_188 = arith.constant 224 : i32
        %add3A_189 = arith.addi %mul3A_118, %add3A_188 : i32
        %get3A_190 = arith.index_cast %shift_right_arithmetic3A_115 : i32 to index
        %get3A_191 = arith.index_cast %add3A_189 : i32 to index
        %get3A_192 = tpu.vector_load %arg8[%get3A_190, %get3A_191] {strides = array<i32>} : memref<32x512xf32, #tpu.memory_space<vmem>>, vector<16xf32>,
        %add3A_193 = arith.constant 240 : i32
        %add3A_194 = arith.addi %mul3A_118, %add3A_193 : i32
        %get3A_195 = arith.index_cast %shift_right_arithmetic3A_115 : i32 to index
        %get3A_196 = arith.index_cast %add3A_194 : i32 to index
        %get3A_197 = tpu.vector_load %arg8[%get3A_195, %get3A_196] {strides = array<i32>} : memref<32x512xf32, #tpu.memory_space<vmem>>, vector<16xf32>,
        %add3A_198 = arith.constant 0 : i32
        %add3A_199 = arith.addi %mul3A_118, %add3A_198 : i32
        %get3A_200 = arith.index_cast %shift_right_arithmetic3A_115 : i32 to index
        %get3A_201 = arith.index_cast %add3A_199 : i32 to index
        %get3A_202 = tpu.vector_load %arg9[%get3A_200, %get3A_201] {strides = array<i32>} : memref<32x512xf32, #tpu.memory_space<vmem>>, vector<16xf32>,
        %add3A_203 = arith.constant 16 : i32
        %add3A_204 = arith.addi %mul3A_118, %add3A_203 : i32
        %get3A_205 = arith.index_cast %shift_right_arithmetic3A_115 : i32 to index
        %get3A_206 = arith.index_cast %add3A_204 : i32 to index
        %get3A_207 = tpu.vector_load %arg9[%get3A_205, %get3A_206] {strides = array<i32>} : memref<32x512xf32, #tpu.memory_space<vmem>>, vector<16xf32>,
        %add3A_208 = arith.constant 32 : i32
        %add3A_209 = arith.addi %mul3A_118, %add3A_208 : i32
        %get3A_210 = arith.index_cast %shift_right_arithmetic3A_115 : i32 to index
        %get3A_211 = arith.index_cast %add3A_209 : i32 to index
        %get3A_212 = tpu.vector_load %arg9[%get3A_210, %get3A_211] {strides = array<i32>} : memref<32x512xf32, #tpu.memory_space<vmem>>, vector<16xf32>,
        %add3A_213 = arith.constant 48 : i32
        %add3A_214 = arith.addi %mul3A_118, %add3A_213 : i32
        %get3A_215 = arith.index_cast %shift_right_arithmetic3A_115 : i32 to index
        %get3A_216 = arith.index_cast %add3A_214 : i32 to index
        %get3A_217 = tpu.vector_load %arg9[%get3A_215, %get3A_216] {strides = array<i32>} : memref<32x512xf32, #tpu.memory_space<vmem>>, vector<16xf32>,
        %add3A_218 = arith.constant 64 : i32
        %add3A_219 = arith.addi %mul3A_118, %add3A_218 : i32
        %get3A_220 = arith.index_cast %shift_right_arithmetic3A_115 : i32 to index
        %get3A_221 = arith.index_cast %add3A_219 : i32 to index
        %get3A_222 = tpu.vector_load %arg9[%get3A_220, %get3A_221] {strides = array<i32>} : memref<32x512xf32, #tpu.memory_space<vmem>>, vector<16xf32>,
        %add3A_223 = arith.constant 80 : i32
        %add3A_224 = arith.addi %mul3A_118, %add3A_223 : i32
        %get3A_225 = arith.index_cast %shift_right_arithmetic3A_115 : i32 to index
        %get3A_226 = arith.index_cast %add3A_224 : i32 to index
        %get3A_227 = tpu.vector_load %arg9[%get3A_225, %get3A_226] {strides = array<i32>} : memref<32x512xf32, #tpu.memory_space<vmem>>, vector<16xf32>,
        %add3A_228 = arith.constant 96 : i32
        %add3A_229 = arith.addi %mul3A_118, %add3A_228 : i32
        %get3A_230 = arith.index_cast %shift_right_arithmetic3A_115 : i32 to index
        %get3A_231 = arith.index_cast %add3A_229 : i32 to index
        %get3A_232 = tpu.vector_load %arg9[%get3A_230, %get3A_231] {strides = array<i32>} : memref<32x512xf32, #tpu.memory_space<vmem>>, vector<16xf32>,
        %add3A_233 = arith.constant 112 : i32
        %add3A_234 = arith.addi %mul3A_118, %add3A_233 : i32
        %get3A_235 = arith.index_cast %shift_right_arithmetic3A_115 : i32 to index
        %get3A_236 = arith.index_cast %add3A_234 : i32 to index
        %get3A_237 = tpu.vector_load %arg9[%get3A_235, %get3A_236] {strides = array<i32>} : memref<32x512xf32, #tpu.memory_space<vmem>>, vector<16xf32>,
        %add3A_238 = arith.constant 128 : i32
        %add3A_239 = arith.addi %mul3A_118, %add3A_238 : i32
        %get3A_240 = arith.index_cast %shift_right_arithmetic3A_115 : i32 to index
        %get3A_241 = arith.index_cast %add3A_239 : i32 to index
        %get3A_242 = tpu.vector_load %arg9[%get3A_240, %get3A_241] {strides = array<i32>} : memref<32x512xf32, #tpu.memory_space<vmem>>, vector<16xf32>,
        %add3A_243 = arith.constant 144 : i32
        %add3A_244 = arith.addi %mul3A_118, %add3A_243 : i32
        %get3A_245 = arith.index_cast %shift_right_arithmetic3A_115 : i32 to index
        %get3A_246 = arith.index_cast %add3A_244 : i32 to index
        %get3A_247 = tpu.vector_load %arg9[%get3A_245, %get3A_246] {strides = array<i32>} : memref<32x512xf32, #tpu.memory_space<vmem>>, vector<16xf32>,
        %add3A_248 = arith.constant 160 : i32
        %add3A_249 = arith.addi %mul3A_118, %add3A_248 : i32
        %get3A_250 = arith.index_cast %shift_right_arithmetic3A_115 : i32 to index
        %get3A_251 = arith.index_cast %add3A_249 : i32 to index
        %get3A_252 = tpu.vector_load %arg9[%get3A_250, %get3A_251] {strides = array<i32>} : memref<32x512xf32, #tpu.memory_space<vmem>>, vector<16xf32>,
        %add3A_253 = arith.constant 176 : i32
        %add3A_254 = arith.addi %mul3A_118, %add3A_253 : i32
        %get3A_255 = arith.index_cast %shift_right_arithmetic3A_115 : i32 to index
        %get3A_256 = arith.index_cast %add3A_254 : i32 to index
        %get3A_257 = tpu.vector_load %arg9[%get3A_255, %get3A_256] {strides = array<i32>} : memref<32x512xf32, #tpu.memory_space<vmem>>, vector<16xf32>,
        %add3A_258 = arith.constant 192 : i32
        %add3A_259 = arith.addi %mul3A_118, %add3A_258 : i32
        %get3A_260 = arith.index_cast %shift_right_arithmetic3A_115 : i32 to index
        %get3A_261 = arith.index_cast %add3A_259 : i32 to index
        %get3A_262 = tpu.vector_load %arg9[%get3A_260, %get3A_261] {strides = array<i32>} : memref<32x512xf32, #tpu.memory_space<vmem>>, vector<16xf32>,
        %add3A_263 = arith.constant 208 : i32
        %add3A_264 = arith.addi %mul3A_118, %add3A_263 : i32
        %get3A_265 = arith.index_cast %shift_right_arithmetic3A_115 : i32 to index
        %get3A_266 = arith.index_cast %add3A_264 : i32 to index
        %get3A_267 = tpu.vector_load %arg9[%get3A_265, %get3A_266] {strides = array<i32>} : memref<32x512xf32, #tpu.memory_space<vmem>>, vector<16xf32>,
        %add3A_268 = arith.constant 224 : i32
        %add3A_269 = arith.addi %mul3A_118, %add3A_268 : i32
        %get3A_270 = arith.index_cast %shift_right_arithmetic3A_115 : i32 to index
        %get3A_271 = arith.index_cast %add3A_269 : i32 to index
        %get3A_272 = tpu.vector_load %arg9[%get3A_270, %get3A_271] {strides = array<i32>} : memref<32x512xf32, #tpu.memory_space<vmem>>, vector<16xf32>,
        %add3A_273 = arith.constant 240 : i32
        %add3A_274 = arith.addi %mul3A_118, %add3A_273 : i32
        %get3A_275 = arith.index_cast %shift_right_arithmetic3A_115 : i32 to index
        %get3A_276 = arith.index_cast %add3A_274 : i32 to index
        %get3A_277 = tpu.vector_load %arg9[%get3A_275, %get3A_276] {strides = array<i32>} : memref<32x512xf32, #tpu.memory_space<vmem>>, vector<16xf32>,
        %bitcast3A = vector.bitcast %get3A_202 : vector<16xf32> to vector<16xi32>
        %shift_left3A = arith.constant 8 : i32
        %shift_left3A_278 = vector.broadcast %shift_left3A : i32 to vector<16xi32>
        %shift_left3A_279 = arith.shli %bitcast3A, %shift_left3A_278 : vector<16xi32>
        %bitcast3A_280 = vector.bitcast %get3A_207 : vector<16xf32> to vector<16xi32>
        %shift_left3A_281 = arith.constant 8 : i32
        %shift_left3A_282 = vector.broadcast %shift_left3A_281 : i32 to vector<16xi32>
        %shift_left3A_283 = arith.shli %bitcast3A_280, %shift_left3A_282 : vector<16xi32>
        %bitcast3A_284 = vector.bitcast %get3A_212 : vector<16xf32> to vector<16xi32>
        %shift_left3A_285 = arith.constant 8 : i32
        %shift_left3A_286 = vector.broadcast %shift_left3A_285 : i32 to vector<16xi32>
        %shift_left3A_287 = arith.shli %bitcast3A_284, %shift_left3A_286 : vector<16xi32>
        %bitcast3A_288 = vector.bitcast %get3A_217 : vector<16xf32> to vector<16xi32>
        %shift_left3A_289 = arith.constant 8 : i32
        %shift_left3A_290 = vector.broadcast %shift_left3A_289 : i32 to vector<16xi32>
        %shift_left3A_291 = arith.shli %bitcast3A_288, %shift_left3A_290 : vector<16xi32>
        %bitcast3A_292 = vector.bitcast %get3A_222 : vector<16xf32> to vector<16xi32>
        %shift_left3A_293 = arith.constant 8 : i32
        %shift_left3A_294 = vector.broadcast %shift_left3A_293 : i32 to vector<16xi32>
        %shift_left3A_295 = arith.shli %bitcast3A_292, %shift_left3A_294 : vector<16xi32>
        %bitcast3A_296 = vector.bitcast %get3A_227 : vector<16xf32> to vector<16xi32>
        %shift_left3A_297 = arith.constant 8 : i32
        %shift_left3A_298 = vector.broadcast %shift_left3A_297 : i32 to vector<16xi32>
        %shift_left3A_299 = arith.shli %bitcast3A_296, %shift_left3A_298 : vector<16xi32>
        %bitcast3A_300 = vector.bitcast %get3A_232 : vector<16xf32> to vector<16xi32>
        %shift_left3A_301 = arith.constant 8 : i32
        %shift_left3A_302 = vector.broadcast %shift_left3A_301 : i32 to vector<16xi32>
        %shift_left3A_303 = arith.shli %bitcast3A_300, %shift_left3A_302 : vector<16xi32>
        %bitcast3A_304 = vector.bitcast %get3A_237 : vector<16xf32> to vector<16xi32>
        %shift_left3A_305 = arith.constant 8 : i32
        %shift_left3A_306 = vector.broadcast %shift_left3A_305 : i32 to vector<16xi32>
        %shift_left3A_307 = arith.shli %bitcast3A_304, %shift_left3A_306 : vector<16xi32>
        %bitcast3A_308 = vector.bitcast %get3A_242 : vector<16xf32> to vector<16xi32>
        %shift_left3A_309 = arith.constant 8 : i32
        %shift_left3A_310 = vector.broadcast %shift_left3A_309 : i32 to vector<16xi32>
        %shift_left3A_311 = arith.shli %bitcast3A_308, %shift_left3A_310 : vector<16xi32>
        %bitcast3A_312 = vector.bitcast %get3A_247 : vector<16xf32> to vector<16xi32>
        %shift_left3A_313 = arith.constant 8 : i32
        %shift_left3A_314 = vector.broadcast %shift_left3A_313 : i32 to vector<16xi32>
        %shift_left3A_315 = arith.shli %bitcast3A_312, %shift_left3A_314 : vector<16xi32>
        %bitcast3A_316 = vector.bitcast %get3A_252 : vector<16xf32> to vector<16xi32>
        %shift_left3A_317 = arith.constant 8 : i32
        %shift_left3A_318 = vector.broadcast %shift_left3A_317 : i32 to vector<16xi32>
        %shift_left3A_319 = arith.shli %bitcast3A_316, %shift_left3A_318 : vector<16xi32>
        %bitcast3A_320 = vector.bitcast %get3A_257 : vector<16xf32> to vector<16xi32>
        %shift_left3A_321 = arith.constant 8 : i32
        %shift_left3A_322 = vector.broadcast %shift_left3A_321 : i32 to vector<16xi32>
        %shift_left3A_323 = arith.shli %bitcast3A_320, %shift_left3A_322 : vector<16xi32>
        %bitcast3A_324 = vector.bitcast %get3A_262 : vector<16xf32> to vector<16xi32>
        %shift_left3A_325 = arith.constant 8 : i32
        %shift_left3A_326 = vector.broadcast %shift_left3A_325 : i32 to vector<16xi32>
        %shift_left3A_327 = arith.shli %bitcast3A_324, %shift_left3A_326 : vector<16xi32>
        %bitcast3A_328 = vector.bitcast %get3A_267 : vector<16xf32> to vector<16xi32>
        %shift_left3A_329 = arith.constant 8 : i32
        %shift_left3A_330 = vector.broadcast %shift_left3A_329 : i32 to vector<16xi32>
        %shift_left3A_331 = arith.shli %bitcast3A_328, %shift_left3A_330 : vector<16xi32>
        %bitcast3A_332 = vector.bitcast %get3A_272 : vector<16xf32> to vector<16xi32>
        %shift_left3A_333 = arith.constant 8 : i32
        %shift_left3A_334 = vector.broadcast %shift_left3A_333 : i32 to vector<16xi32>
        %shift_left3A_335 = arith.shli %bitcast3A_332, %shift_left3A_334 : vector<16xi32>
        %bitcast3A_336 = vector.bitcast %get3A_277 : vector<16xf32> to vector<16xi32>
        %shift_left3A_337 = arith.constant 8 : i32
        %shift_left3A_338 = vector.broadcast %shift_left3A_337 : i32 to vector<16xi32>
        %shift_left3A_339 = arith.shli %bitcast3A_336, %shift_left3A_338 : vector<16xi32>
        %bitcast3A_340 = vector.bitcast %get3A_122 : vector<16xf32> to vector<16xi32>
        %xor3A = arith.xori %bitcast3A_340, %shift_left3A_279 : vector<16xi32>
        %bitcast3A_341 = vector.bitcast %xor3A : vector<16xi32> to vector<16xf32>
        %bitcast3A_342 = vector.bitcast %get3A_127 : vector<16xf32> to vector<16xi32>
        %xor3A_343 = arith.xori %bitcast3A_342, %shift_left3A_283 : vector<16xi32>
        %bitcast3A_344 = vector.bitcast %xor3A_343 : vector<16xi32> to vector<16xf32>
        %bitcast3A_345 = vector.bitcast %get3A_132 : vector<16xf32> to vector<16xi32>
        %xor3A_346 = arith.xori %bitcast3A_345, %shift_left3A_287 : vector<16xi32>
        %bitcast3A_347 = vector.bitcast %xor3A_346 : vector<16xi32> to vector<16xf32>
        %bitcast3A_348 = vector.bitcast %get3A_137 : vector<16xf32> to vector<16xi32>
        %xor3A_349 = arith.xori %bitcast3A_348, %shift_left3A_291 : vector<16xi32>
        %bitcast3A_350 = vector.bitcast %xor3A_349 : vector<16xi32> to vector<16xf32>
        %bitcast3A_351 = vector.bitcast %get3A_142 : vector<16xf32> to vector<16xi32>
        %xor3A_352 = arith.xori %bitcast3A_351, %shift_left3A_295 : vector<16xi32>
        %bitcast3A_353 = vector.bitcast %xor3A_352 : vector<16xi32> to vector<16xf32>
        %bitcast3A_354 = vector.bitcast %get3A_147 : vector<16xf32> to vector<16xi32>
        %xor3A_355 = arith.xori %bitcast3A_354, %shift_left3A_299 : vector<16xi32>
        %bitcast3A_356 = vector.bitcast %xor3A_355 : vector<16xi32> to vector<16xf32>
        %bitcast3A_357 = vector.bitcast %get3A_152 : vector<16xf32> to vector<16xi32>
        %xor3A_358 = arith.xori %bitcast3A_357, %shift_left3A_303 : vector<16xi32>
        %bitcast3A_359 = vector.bitcast %xor3A_358 : vector<16xi32> to vector<16xf32>
        %bitcast3A_360 = vector.bitcast %get3A_157 : vector<16xf32> to vector<16xi32>
        %xor3A_361 = arith.xori %bitcast3A_360, %shift_left3A_307 : vector<16xi32>
        %bitcast3A_362 = vector.bitcast %xor3A_361 : vector<16xi32> to vector<16xf32>
        %bitcast3A_363 = vector.bitcast %get3A_162 : vector<16xf32> to vector<16xi32>
        %xor3A_364 = arith.xori %bitcast3A_363, %shift_left3A_311 : vector<16xi32>
        %bitcast3A_365 = vector.bitcast %xor3A_364 : vector<16xi32> to vector<16xf32>
        %bitcast3A_366 = vector.bitcast %get3A_167 : vector<16xf32> to vector<16xi32>
        %xor3A_367 = arith.xori %bitcast3A_366, %shift_left3A_315 : vector<16xi32>
        %bitcast3A_368 = vector.bitcast %xor3A_367 : vector<16xi32> to vector<16xf32>
        %bitcast3A_369 = vector.bitcast %get3A_172 : vector<16xf32> to vector<16xi32>
        %xor3A_370 = arith.xori %bitcast3A_369, %shift_left3A_319 : vector<16xi32>
        %bitcast3A_371 = vector.bitcast %xor3A_370 : vector<16xi32> to vector<16xf32>
        %bitcast3A_372 = vector.bitcast %get3A_177 : vector<16xf32> to vector<16xi32>
        %xor3A_373 = arith.xori %bitcast3A_372, %shift_left3A_323 : vector<16xi32>
        %bitcast3A_374 = vector.bitcast %xor3A_373 : vector<16xi32> to vector<16xf32>
        %bitcast3A_375 = vector.bitcast %get3A_182 : vector<16xf32> to vector<16xi32>
        %xor3A_376 = arith.xori %bitcast3A_375, %shift_left3A_327 : vector<16xi32>
        %bitcast3A_377 = vector.bitcast %xor3A_376 : vector<16xi32> to vector<16xf32>
        %bitcast3A_378 = vector.bitcast %get3A_187 : vector<16xf32> to vector<16xi32>
        %xor3A_379 = arith.xori %bitcast3A_378, %shift_left3A_331 : vector<16xi32>
        %bitcast3A_380 = vector.bitcast %xor3A_379 : vector<16xi32> to vector<16xf32>
        %bitcast3A_381 = vector.bitcast %get3A_192 : vector<16xf32> to vector<16xi32>
        %xor3A_382 = arith.xori %bitcast3A_381, %shift_left3A_335 : vector<16xi32>
        %bitcast3A_383 = vector.bitcast %xor3A_382 : vector<16xi32> to vector<16xf32>
        %bitcast3A_384 = vector.bitcast %get3A_197 : vector<16xf32> to vector<16xi32>
        %xor3A_385 = arith.xori %bitcast3A_384, %shift_left3A_339 : vector<16xi32>
        %bitcast3A_386 = vector.bitcast %xor3A_385 : vector<16xi32> to vector<16xf32>
        %exp3A = math.exp %bitcast3A_341 : vector<16xf32>
        %exp3A_387 = math.exp %bitcast3A_344 : vector<16xf32>
        %exp3A_388 = math.exp %bitcast3A_347 : vector<16xf32>
        %exp3A_389 = math.exp %bitcast3A_350 : vector<16xf32>
        %exp3A_390 = math.exp %bitcast3A_353 : vector<16xf32>
        %exp3A_391 = math.exp %bitcast3A_356 : vector<16xf32>
        %exp3A_392 = math.exp %bitcast3A_359 : vector<16xf32>
        %exp3A_393 = math.exp %bitcast3A_362 : vector<16xf32>
        %exp3A_394 = math.exp %bitcast3A_365 : vector<16xf32>
        %exp3A_395 = math.exp %bitcast3A_368 : vector<16xf32>
        %exp3A_396 = math.exp %bitcast3A_371 : vector<16xf32>
        %exp3A_397 = math.exp %bitcast3A_374 : vector<16xf32>
        %exp3A_398 = math.exp %bitcast3A_377 : vector<16xf32>
        %exp3A_399 = math.exp %bitcast3A_380 : vector<16xf32>
        %exp3A_400 = math.exp %bitcast3A_383 : vector<16xf32>
        %exp3A_401 = math.exp %bitcast3A_386 : vector<16xf32>
        %add3A_402 = arith.constant 1.000000e+00 : f32
        %add3A_403 = vector.broadcast %add3A_402 : f32 to vector<16xf32>
        %add3A_404 = arith.addf %add3A_403, %exp3A : vector<16xf32>
        %div3A = arith.constant 1.000000e+00 : f32
        %div3A_405 = vector.broadcast %div3A : f32 to vector<16xf32>
        %div3A_406 = arith.divf %div3A_405, %add3A_404 : vector<16xf32>
        %add3A_407 = arith.constant 1.000000e+00 : f32
        %add3A_408 = vector.broadcast %add3A_407 : f32 to vector<16xf32>
        %add3A_409 = arith.addf %add3A_408, %exp3A_387 : vector<16xf32>
        %div3A_410 = arith.constant 1.000000e+00 : f32
        %div3A_411 = vector.broadcast %div3A_410 : f32 to vector<16xf32>
        %div3A_412 = arith.divf %div3A_411, %add3A_409 : vector<16xf32>
        %add3A_413 = arith.constant 1.000000e+00 : f32
        %add3A_414 = vector.broadcast %add3A_413 : f32 to vector<16xf32>
        %add3A_415 = arith.addf %add3A_414, %exp3A_388 : vector<16xf32>
        %div3A_416 = arith.constant 1.000000e+00 : f32
        %div3A_417 = vector.broadcast %div3A_416 : f32 to vector<16xf32>
        %div3A_418 = arith.divf %div3A_417, %add3A_415 : vector<16xf32>
        %add3A_419 = arith.constant 1.000000e+00 : f32
        %add3A_420 = vector.broadcast %add3A_419 : f32 to vector<16xf32>
        %add3A_421 = arith.addf %add3A_420, %exp3A_389 : vector<16xf32>
        %div3A_422 = arith.constant 1.000000e+00 : f32
        %div3A_423 = vector.broadcast %div3A_422 : f32 to vector<16xf32>
        %div3A_424 = arith.divf %div3A_423, %add3A_421 : vector<16xf32>
        %add3A_425 = arith.constant 1.000000e+00 : f32
        %add3A_426 = vector.broadcast %add3A_425 : f32 to vector<16xf32>
        %add3A_427 = arith.addf %add3A_426, %exp3A_390 : vector<16xf32>
        %div3A_428 = arith.constant 1.000000e+00 : f32
        %div3A_429 = vector.broadcast %div3A_428 : f32 to vector<16xf32>
        %div3A_430 = arith.divf %div3A_429, %add3A_427 : vector<16xf32>
        %add3A_431 = arith.constant 1.000000e+00 : f32
        %add3A_432 = vector.broadcast %add3A_431 : f32 to vector<16xf32>
        %add3A_433 = arith.addf %add3A_432, %exp3A_391 : vector<16xf32>
        %div3A_434 = arith.constant 1.000000e+00 : f32
        %div3A_435 = vector.broadcast %div3A_434 : f32 to vector<16xf32>
        %div3A_436 = arith.divf %div3A_435, %add3A_433 : vector<16xf32>
        %add3A_437 = arith.constant 1.000000e+00 : f32
        %add3A_438 = vector.broadcast %add3A_437 : f32 to vector<16xf32>
        %add3A_439 = arith.addf %add3A_438, %exp3A_392 : vector<16xf32>
        %div3A_440 = arith.constant 1.000000e+00 : f32
        %div3A_441 = vector.broadcast %div3A_440 : f32 to vector<16xf32>
        %div3A_442 = arith.divf %div3A_441, %add3A_439 : vector<16xf32>
        %add3A_443 = arith.constant 1.000000e+00 : f32
        %add3A_444 = vector.broadcast %add3A_443 : f32 to vector<16xf32>
        %add3A_445 = arith.addf %add3A_444, %exp3A_393 : vector<16xf32>
        %div3A_446 = arith.constant 1.000000e+00 : f32
        %div3A_447 = vector.broadcast %div3A_446 : f32 to vector<16xf32>
        %div3A_448 = arith.divf %div3A_447, %add3A_445 : vector<16xf32>
        %add3A_449 = arith.constant 1.000000e+00 : f32
        %add3A_450 = vector.broadcast %add3A_449 : f32 to vector<16xf32>
        %add3A_451 = arith.addf %add3A_450, %exp3A_394 : vector<16xf32>
        %div3A_452 = arith.constant 1.000000e+00 : f32
        %div3A_453 = vector.broadcast %div3A_452 : f32 to vector<16xf32>
        %div3A_454 = arith.divf %div3A_453, %add3A_451 : vector<16xf32>
        %add3A_455 = arith.constant 1.000000e+00 : f32
        %add3A_456 = vector.broadcast %add3A_455 : f32 to vector<16xf32>
        %add3A_457 = arith.addf %add3A_456, %exp3A_395 : vector<16xf32>
        %div3A_458 = arith.constant 1.000000e+00 : f32
        %div3A_459 = vector.broadcast %div3A_458 : f32 to vector<16xf32>
        %div3A_460 = arith.divf %div3A_459, %add3A_457 : vector<16xf32>
        %add3A_461 = arith.constant 1.000000e+00 : f32
        %add3A_462 = vector.broadcast %add3A_461 : f32 to vector<16xf32>
        %add3A_463 = arith.addf %add3A_462, %exp3A_396 : vector<16xf32>
        %div3A_464 = arith.constant 1.000000e+00 : f32
        %div3A_465 = vector.broadcast %div3A_464 : f32 to vector<16xf32>
        %div3A_466 = arith.divf %div3A_465, %add3A_463 : vector<16xf32>
        %add3A_467 = arith.constant 1.000000e+00 : f32
        %add3A_468 = vector.broadcast %add3A_467 : f32 to vector<16xf32>
        %add3A_469 = arith.addf %add3A_468, %exp3A_397 : vector<16xf32>
        %div3A_470 = arith.constant 1.000000e+00 : f32
        %div3A_471 = vector.broadcast %div3A_470 : f32 to vector<16xf32>
        %div3A_472 = arith.divf %div3A_471, %add3A_469 : vector<16xf32>
        %add3A_473 = arith.constant 1.000000e+00 : f32
        %add3A_474 = vector.broadcast %add3A_473 : f32 to vector<16xf32>
        %add3A_475 = arith.addf %add3A_474, %exp3A_398 : vector<16xf32>
        %div3A_476 = arith.constant 1.000000e+00 : f32
        %div3A_477 = vector.broadcast %div3A_476 : f32 to vector<16xf32>
        %div3A_478 = arith.divf %div3A_477, %add3A_475 : vector<16xf32>
        %add3A_479 = arith.constant 1.000000e+00 : f32
        %add3A_480 = vector.broadcast %add3A_479 : f32 to vector<16xf32>
        %add3A_481 = arith.addf %add3A_480, %exp3A_399 : vector<16xf32>
        %div3A_482 = arith.constant 1.000000e+00 : f32
        %div3A_483 = vector.broadcast %div3A_482 : f32 to vector<16xf32>
        %div3A_484 = arith.divf %div3A_483, %add3A_481 : vector<16xf32>
        %add3A_485 = arith.constant 1.000000e+00 : f32
        %add3A_486 = vector.broadcast %add3A_485 : f32 to vector<16xf32>
        %add3A_487 = arith.addf %add3A_486, %exp3A_400 : vector<16xf32>
        %div3A_488 = arith.constant 1.000000e+00 : f32
        %div3A_489 = vector.broadcast %div3A_488 : f32 to vector<16xf32>
        %div3A_490 = arith.divf %div3A_489, %add3A_487 : vector<16xf32>
        %add3A_491 = arith.constant 1.000000e+00 : f32
        %add3A_492 = vector.broadcast %add3A_491 : f32 to vector<16xf32>
        %add3A_493 = arith.addf %add3A_492, %exp3A_401 : vector<16xf32>
        %div3A_494 = arith.constant 1.000000e+00 : f32
        %div3A_495 = vector.broadcast %div3A_494 : f32 to vector<16xf32>
        %div3A_496 = arith.divf %div3A_495, %add3A_493 : vector<16xf32>
        %mul3A_497 = vector.broadcast %scan3A_30 : f32 to vector<16xf32>
        %mul3A_498 = arith.mulf %div3A_406, %mul3A_497 : vector<16xf32>
        %add3A_499 = vector.broadcast %scan3A_31 : f32 to vector<16xf32>
        %add3A_500 = arith.addf %mul3A_498, %add3A_499 : vector<16xf32>
        %bitcast3A_501 = vector.bitcast %add3A_500 : vector<16xf32> to vector<16xi32>
        %add3A_502 = arith.addi %sub3A_8, %bitcast3A_501 : vector<16xi32>
        %mul3A_503 = vector.broadcast %scan3A_30 : f32 to vector<16xf32>
        %mul3A_504 = arith.mulf %div3A_412, %mul3A_503 : vector<16xf32>
        %add3A_505 = vector.broadcast %scan3A_31 : f32 to vector<16xf32>
        %add3A_506 = arith.addf %mul3A_504, %add3A_505 : vector<16xf32>
        %bitcast3A_507 = vector.bitcast %add3A_506 : vector<16xf32> to vector<16xi32>
        %add3A_508 = arith.addi %sub3A_8, %bitcast3A_507 : vector<16xi32>
        %mul3A_509 = vector.broadcast %scan3A_30 : f32 to vector<16xf32>
        %mul3A_510 = arith.mulf %div3A_418, %mul3A_509 : vector<16xf32>
        %add3A_511 = vector.broadcast %scan3A_31 : f32 to vector<16xf32>
        %add3A_512 = arith.addf %mul3A_510, %add3A_511 : vector<16xf32>
        %bitcast3A_513 = vector.bitcast %add3A_512 : vector<16xf32> to vector<16xi32>
        %add3A_514 = arith.addi %sub3A_8, %bitcast3A_513 : vector<16xi32>
        %mul3A_515 = vector.broadcast %scan3A_30 : f32 to vector<16xf32>
        %mul3A_516 = arith.mulf %div3A_424, %mul3A_515 : vector<16xf32>
        %add3A_517 = vector.broadcast %scan3A_31 : f32 to vector<16xf32>
        %add3A_518 = arith.addf %mul3A_516, %add3A_517 : vector<16xf32>
        %bitcast3A_519 = vector.bitcast %add3A_518 : vector<16xf32> to vector<16xi32>
        %add3A_520 = arith.addi %sub3A_8, %bitcast3A_519 : vector<16xi32>
        %mul3A_521 = vector.broadcast %scan3A_30 : f32 to vector<16xf32>
        %mul3A_522 = arith.mulf %div3A_430, %mul3A_521 : vector<16xf32>
        %add3A_523 = vector.broadcast %scan3A_31 : f32 to vector<16xf32>
        %add3A_524 = arith.addf %mul3A_522, %add3A_523 : vector<16xf32>
        %bitcast3A_525 = vector.bitcast %add3A_524 : vector<16xf32> to vector<16xi32>
        %add3A_526 = arith.addi %sub3A_8, %bitcast3A_525 : vector<16xi32>
        %mul3A_527 = vector.broadcast %scan3A_30 : f32 to vector<16xf32>
        %mul3A_528 = arith.mulf %div3A_436, %mul3A_527 : vector<16xf32>
        %add3A_529 = vector.broadcast %scan3A_31 : f32 to vector<16xf32>
        %add3A_530 = arith.addf %mul3A_528, %add3A_529 : vector<16xf32>
        %bitcast3A_531 = vector.bitcast %add3A_530 : vector<16xf32> to vector<16xi32>
        %add3A_532 = arith.addi %sub3A_8, %bitcast3A_531 : vector<16xi32>
        %mul3A_533 = vector.broadcast %scan3A_30 : f32 to vector<16xf32>
        %mul3A_534 = arith.mulf %div3A_442, %mul3A_533 : vector<16xf32>
        %add3A_535 = vector.broadcast %scan3A_31 : f32 to vector<16xf32>
        %add3A_536 = arith.addf %mul3A_534, %add3A_535 : vector<16xf32>
        %bitcast3A_537 = vector.bitcast %add3A_536 : vector<16xf32> to vector<16xi32>
        %add3A_538 = arith.addi %sub3A_8, %bitcast3A_537 : vector<16xi32>
        %mul3A_539 = vector.broadcast %scan3A_30 : f32 to vector<16xf32>
        %mul3A_540 = arith.mulf %div3A_448, %mul3A_539 : vector<16xf32>
        %add3A_541 = vector.broadcast %scan3A_31 : f32 to vector<16xf32>
        %add3A_542 = arith.addf %mul3A_540, %add3A_541 : vector<16xf32>
        %bitcast3A_543 = vector.bitcast %add3A_542 : vector<16xf32> to vector<16xi32>
        %add3A_544 = arith.addi %sub3A_8, %bitcast3A_543 : vector<16xi32>
        %mul3A_545 = vector.broadcast %scan3A_30 : f32 to vector<16xf32>
        %mul3A_546 = arith.mulf %div3A_454, %mul3A_545 : vector<16xf32>
        %add3A_547 = vector.broadcast %scan3A_31 : f32 to vector<16xf32>
        %add3A_548 = arith.addf %mul3A_546, %add3A_547 : vector<16xf32>
        %bitcast3A_549 = vector.bitcast %add3A_548 : vector<16xf32> to vector<16xi32>
        %add3A_550 = arith.addi %sub3A_8, %bitcast3A_549 : vector<16xi32>
        %mul3A_551 = vector.broadcast %scan3A_30 : f32 to vector<16xf32>
        %mul3A_552 = arith.mulf %div3A_460, %mul3A_551 : vector<16xf32>
        %add3A_553 = vector.broadcast %scan3A_31 : f32 to vector<16xf32>
        %add3A_554 = arith.addf %mul3A_552, %add3A_553 : vector<16xf32>
        %bitcast3A_555 = vector.bitcast %add3A_554 : vector<16xf32> to vector<16xi32>
        %add3A_556 = arith.addi %sub3A_8, %bitcast3A_555 : vector<16xi32>
        %mul3A_557 = vector.broadcast %scan3A_30 : f32 to vector<16xf32>
        %mul3A_558 = arith.mulf %div3A_466, %mul3A_557 : vector<16xf32>
        %add3A_559 = vector.broadcast %scan3A_31 : f32 to vector<16xf32>
        %add3A_560 = arith.addf %mul3A_558, %add3A_559 : vector<16xf32>
        %bitcast3A_561 = vector.bitcast %add3A_560 : vector<16xf32> to vector<16xi32>
        %add3A_562 = arith.addi %sub3A_8, %bitcast3A_561 : vector<16xi32>
        %mul3A_563 = vector.broadcast %scan3A_30 : f32 to vector<16xf32>
        %mul3A_564 = arith.mulf %div3A_472, %mul3A_563 : vector<16xf32>
        %add3A_565 = vector.broadcast %scan3A_31 : f32 to vector<16xf32>
        %add3A_566 = arith.addf %mul3A_564, %add3A_565 : vector<16xf32>
        %bitcast3A_567 = vector.bitcast %add3A_566 : vector<16xf32> to vector<16xi32>
        %add3A_568 = arith.addi %sub3A_8, %bitcast3A_567 : vector<16xi32>
        %mul3A_569 = vector.broadcast %scan3A_30 : f32 to vector<16xf32>
        %mul3A_570 = arith.mulf %div3A_478, %mul3A_569 : vector<16xf32>
        %add3A_571 = vector.broadcast %scan3A_31 : f32 to vector<16xf32>
        %add3A_572 = arith.addf %mul3A_570, %add3A_571 : vector<16xf32>
        %bitcast3A_573 = vector.bitcast %add3A_572 : vector<16xf32> to vector<16xi32>
        %add3A_574 = arith.addi %sub3A_8, %bitcast3A_573 : vector<16xi32>
        %mul3A_575 = vector.broadcast %scan3A_30 : f32 to vector<16xf32>
        %mul3A_576 = arith.mulf %div3A_484, %mul3A_575 : vector<16xf32>
        %add3A_577 = vector.broadcast %scan3A_31 : f32 to vector<16xf32>
        %add3A_578 = arith.addf %mul3A_576, %add3A_577 : vector<16xf32>
        %bitcast3A_579 = vector.bitcast %add3A_578 : vector<16xf32> to vector<16xi32>
        %add3A_580 = arith.addi %sub3A_8, %bitcast3A_579 : vector<16xi32>
        %mul3A_581 = vector.broadcast %scan3A_30 : f32 to vector<16xf32>
        %mul3A_582 = arith.mulf %div3A_490, %mul3A_581 : vector<16xf32>
        %add3A_583 = vector.broadcast %scan3A_31 : f32 to vector<16xf32>
        %add3A_584 = arith.addf %mul3A_582, %add3A_583 : vector<16xf32>
        %bitcast3A_585 = vector.bitcast %add3A_584 : vector<16xf32> to vector<16xi32>
        %add3A_586 = arith.addi %sub3A_8, %bitcast3A_585 : vector<16xi32>
        %mul3A_587 = vector.broadcast %scan3A_30 : f32 to vector<16xf32>
        %mul3A_588 = arith.mulf %div3A_496, %mul3A_587 : vector<16xf32>
        %add3A_589 = vector.broadcast %scan3A_31 : f32 to vector<16xf32>
        %add3A_590 = arith.addf %mul3A_588, %add3A_589 : vector<16xf32>
        %bitcast3A_591 = vector.bitcast %add3A_590 : vector<16xf32> to vector<16xi32>
        %add3A_592 = arith.addi %sub3A_8, %bitcast3A_591 : vector<16xi32>
        %shift_right_logical3A = arith.constant 16 : i32
        %shift_right_logical3A_593 = vector.broadcast %shift_right_logical3A : i32 to vector<16xi32>
        %shift_right_logical3A_594 = arith.shrui %shift_left3A_279, %shift_right_logical3A_593 : vector<16xi32>
        %add3A_595 = arith.constant 1 : i32
        %add3A_596 = vector.broadcast %add3A_595 : i32 to vector<16xi32>
        %add3A_597 = arith.addi %shift_right_logical3A_594, %add3A_596 : vector<16xi32>
        %shift_right_logical3A_598 = arith.constant 16 : i32
        %shift_right_logical3A_599 = vector.broadcast %shift_right_logical3A_598 : i32 to vector<16xi32>
        %shift_right_logical3A_600 = arith.shrui %shift_left3A_283, %shift_right_logical3A_599 : vector<16xi32>
        %add3A_601 = arith.constant 1 : i32
        %add3A_602 = vector.broadcast %add3A_601 : i32 to vector<16xi32>
        %add3A_603 = arith.addi %shift_right_logical3A_600, %add3A_602 : vector<16xi32>
        %shift_right_logical3A_604 = arith.constant 16 : i32
        %shift_right_logical3A_605 = vector.broadcast %shift_right_logical3A_604 : i32 to vector<16xi32>
        %shift_right_logical3A_606 = arith.shrui %shift_left3A_287, %shift_right_logical3A_605 : vector<16xi32>
        %add3A_607 = arith.constant 1 : i32
        %add3A_608 = vector.broadcast %add3A_607 : i32 to vector<16xi32>
        %add3A_609 = arith.addi %shift_right_logical3A_606, %add3A_608 : vector<16xi32>
        %shift_right_logical3A_610 = arith.constant 16 : i32
        %shift_right_logical3A_611 = vector.broadcast %shift_right_logical3A_610 : i32 to vector<16xi32>
        %shift_right_logical3A_612 = arith.shrui %shift_left3A_291, %shift_right_logical3A_611 : vector<16xi32>
        %add3A_613 = arith.constant 1 : i32
        %add3A_614 = vector.broadcast %add3A_613 : i32 to vector<16xi32>
        %add3A_615 = arith.addi %shift_right_logical3A_612, %add3A_614 : vector<16xi32>
        %shift_right_logical3A_616 = arith.constant 16 : i32
        %shift_right_logical3A_617 = vector.broadcast %shift_right_logical3A_616 : i32 to vector<16xi32>
        %shift_right_logical3A_618 = arith.shrui %shift_left3A_295, %shift_right_logical3A_617 : vector<16xi32>
        %add3A_619 = arith.constant 1 : i32
        %add3A_620 = vector.broadcast %add3A_619 : i32 to vector<16xi32>
        %add3A_621 = arith.addi %shift_right_logical3A_618, %add3A_620 : vector<16xi32>
        %shift_right_logical3A_622 = arith.constant 16 : i32
        %shift_right_logical3A_623 = vector.broadcast %shift_right_logical3A_622 : i32 to vector<16xi32>
        %shift_right_logical3A_624 = arith.shrui %shift_left3A_299, %shift_right_logical3A_623 : vector<16xi32>
        %add3A_625 = arith.constant 1 : i32
        %add3A_626 = vector.broadcast %add3A_625 : i32 to vector<16xi32>
        %add3A_627 = arith.addi %shift_right_logical3A_624, %add3A_626 : vector<16xi32>
        %shift_right_logical3A_628 = arith.constant 16 : i32
        %shift_right_logical3A_629 = vector.broadcast %shift_right_logical3A_628 : i32 to vector<16xi32>
        %shift_right_logical3A_630 = arith.shrui %shift_left3A_303, %shift_right_logical3A_629 : vector<16xi32>
        %add3A_631 = arith.constant 1 : i32
        %add3A_632 = vector.broadcast %add3A_631 : i32 to vector<16xi32>
        %add3A_633 = arith.addi %shift_right_logical3A_630, %add3A_632 : vector<16xi32>
        %shift_right_logical3A_634 = arith.constant 16 : i32
        %shift_right_logical3A_635 = vector.broadcast %shift_right_logical3A_634 : i32 to vector<16xi32>
        %shift_right_logical3A_636 = arith.shrui %shift_left3A_307, %shift_right_logical3A_635 : vector<16xi32>
        %add3A_637 = arith.constant 1 : i32
        %add3A_638 = vector.broadcast %add3A_637 : i32 to vector<16xi32>
        %add3A_639 = arith.addi %shift_right_logical3A_636, %add3A_638 : vector<16xi32>
        %shift_right_logical3A_640 = arith.constant 16 : i32
        %shift_right_logical3A_641 = vector.broadcast %shift_right_logical3A_640 : i32 to vector<16xi32>
        %shift_right_logical3A_642 = arith.shrui %shift_left3A_311, %shift_right_logical3A_641 : vector<16xi32>
        %add3A_643 = arith.constant 1 : i32
        %add3A_644 = vector.broadcast %add3A_643 : i32 to vector<16xi32>
        %add3A_645 = arith.addi %shift_right_logical3A_642, %add3A_644 : vector<16xi32>
        %shift_right_logical3A_646 = arith.constant 16 : i32
        %shift_right_logical3A_647 = vector.broadcast %shift_right_logical3A_646 : i32 to vector<16xi32>
        %shift_right_logical3A_648 = arith.shrui %shift_left3A_315, %shift_right_logical3A_647 : vector<16xi32>
        %add3A_649 = arith.constant 1 : i32
        %add3A_650 = vector.broadcast %add3A_649 : i32 to vector<16xi32>
        %add3A_651 = arith.addi %shift_right_logical3A_648, %add3A_650 : vector<16xi32>
        %shift_right_logical3A_652 = arith.constant 16 : i32
        %shift_right_logical3A_653 = vector.broadcast %shift_right_logical3A_652 : i32 to vector<16xi32>
        %shift_right_logical3A_654 = arith.shrui %shift_left3A_319, %shift_right_logical3A_653 : vector<16xi32>
        %add3A_655 = arith.constant 1 : i32
        %add3A_656 = vector.broadcast %add3A_655 : i32 to vector<16xi32>
        %add3A_657 = arith.addi %shift_right_logical3A_654, %add3A_656 : vector<16xi32>
        %shift_right_logical3A_658 = arith.constant 16 : i32
        %shift_right_logical3A_659 = vector.broadcast %shift_right_logical3A_658 : i32 to vector<16xi32>
        %shift_right_logical3A_660 = arith.shrui %shift_left3A_323, %shift_right_logical3A_659 : vector<16xi32>
        %add3A_661 = arith.constant 1 : i32
        %add3A_662 = vector.broadcast %add3A_661 : i32 to vector<16xi32>
        %add3A_663 = arith.addi %shift_right_logical3A_660, %add3A_662 : vector<16xi32>
        %shift_right_logical3A_664 = arith.constant 16 : i32
        %shift_right_logical3A_665 = vector.broadcast %shift_right_logical3A_664 : i32 to vector<16xi32>
        %shift_right_logical3A_666 = arith.shrui %shift_left3A_327, %shift_right_logical3A_665 : vector<16xi32>
        %add3A_667 = arith.constant 1 : i32
        %add3A_668 = vector.broadcast %add3A_667 : i32 to vector<16xi32>
        %add3A_669 = arith.addi %shift_right_logical3A_666, %add3A_668 : vector<16xi32>
        %shift_right_logical3A_670 = arith.constant 16 : i32
        %shift_right_logical3A_671 = vector.broadcast %shift_right_logical3A_670 : i32 to vector<16xi32>
        %shift_right_logical3A_672 = arith.shrui %shift_left3A_331, %shift_right_logical3A_671 : vector<16xi32>
        %add3A_673 = arith.constant 1 : i32
        %add3A_674 = vector.broadcast %add3A_673 : i32 to vector<16xi32>
        %add3A_675 = arith.addi %shift_right_logical3A_672, %add3A_674 : vector<16xi32>
        %shift_right_logical3A_676 = arith.constant 16 : i32
        %shift_right_logical3A_677 = vector.broadcast %shift_right_logical3A_676 : i32 to vector<16xi32>
        %shift_right_logical3A_678 = arith.shrui %shift_left3A_335, %shift_right_logical3A_677 : vector<16xi32>
        %add3A_679 = arith.constant 1 : i32
        %add3A_680 = vector.broadcast %add3A_679 : i32 to vector<16xi32>
        %add3A_681 = arith.addi %shift_right_logical3A_678, %add3A_680 : vector<16xi32>
        %shift_right_logical3A_682 = arith.constant 16 : i32
        %shift_right_logical3A_683 = vector.broadcast %shift_right_logical3A_682 : i32 to vector<16xi32>
        %shift_right_logical3A_684 = arith.shrui %shift_left3A_339, %shift_right_logical3A_683 : vector<16xi32>
        %add3A_685 = arith.constant 1 : i32
        %add3A_686 = vector.broadcast %add3A_685 : i32 to vector<16xi32>
        %add3A_687 = arith.addi %shift_right_logical3A_684, %add3A_686 : vector<16xi32>
        tpu.vector_store_idx %arg10[%add3A_502], %add3A_597 {add = true} : memref<16400xi32, #tpu.memory_space<vmem>>[vector<16xi32>], vector<16xi32>,
        tpu.vector_store_idx %arg11[%add3A_502], %div3A_406 {add = true} : memref<16400xf32, #tpu.memory_space<vmem>>[vector<16xi32>], vector<16xf32>,
        tpu.vector_store_idx %arg10[%add3A_508], %add3A_603 {add = true} : memref<16400xi32, #tpu.memory_space<vmem>>[vector<16xi32>], vector<16xi32>,
        tpu.vector_store_idx %arg11[%add3A_508], %div3A_412 {add = true} : memref<16400xf32, #tpu.memory_space<vmem>>[vector<16xi32>], vector<16xf32>,
        tpu.vector_store_idx %arg10[%add3A_514], %add3A_609 {add = true} : memref<16400xi32, #tpu.memory_space<vmem>>[vector<16xi32>], vector<16xi32>,
        tpu.vector_store_idx %arg11[%add3A_514], %div3A_418 {add = true} : memref<16400xf32, #tpu.memory_space<vmem>>[vector<16xi32>], vector<16xf32>,
        tpu.vector_store_idx %arg10[%add3A_520], %add3A_615 {add = true} : memref<16400xi32, #tpu.memory_space<vmem>>[vector<16xi32>], vector<16xi32>,
        tpu.vector_store_idx %arg11[%add3A_520], %div3A_424 {add = true} : memref<16400xf32, #tpu.memory_space<vmem>>[vector<16xi32>], vector<16xf32>,
        tpu.vector_store_idx %arg10[%add3A_526], %add3A_621 {add = true} : memref<16400xi32, #tpu.memory_space<vmem>>[vector<16xi32>], vector<16xi32>,
        tpu.vector_store_idx %arg11[%add3A_526], %div3A_430 {add = true} : memref<16400xf32, #tpu.memory_space<vmem>>[vector<16xi32>], vector<16xf32>,
        tpu.vector_store_idx %arg10[%add3A_532], %add3A_627 {add = true} : memref<16400xi32, #tpu.memory_space<vmem>>[vector<16xi32>], vector<16xi32>,
        tpu.vector_store_idx %arg11[%add3A_532], %div3A_436 {add = true} : memref<16400xf32, #tpu.memory_space<vmem>>[vector<16xi32>], vector<16xf32>,
        tpu.vector_store_idx %arg10[%add3A_538], %add3A_633 {add = true} : memref<16400xi32, #tpu.memory_space<vmem>>[vector<16xi32>], vector<16xi32>,
        tpu.vector_store_idx %arg11[%add3A_538], %div3A_442 {add = true} : memref<16400xf32, #tpu.memory_space<vmem>>[vector<16xi32>], vector<16xf32>,
        tpu.vector_store_idx %arg10[%add3A_544], %add3A_639 {add = true} : memref<16400xi32, #tpu.memory_space<vmem>>[vector<16xi32>], vector<16xi32>,
        tpu.vector_store_idx %arg11[%add3A_544], %div3A_448 {add = true} : memref<16400xf32, #tpu.memory_space<vmem>>[vector<16xi32>], vector<16xf32>,
        tpu.vector_store_idx %arg10[%add3A_550], %add3A_645 {add = true} : memref<16400xi32, #tpu.memory_space<vmem>>[vector<16xi32>], vector<16xi32>,
        tpu.vector_store_idx %arg11[%add3A_550], %div3A_454 {add = true} : memref<16400xf32, #tpu.memory_space<vmem>>[vector<16xi32>], vector<16xf32>,
        tpu.vector_store_idx %arg10[%add3A_556], %add3A_651 {add = true} : memref<16400xi32, #tpu.memory_space<vmem>>[vector<16xi32>], vector<16xi32>,
        tpu.vector_store_idx %arg11[%add3A_556], %div3A_460 {add = true} : memref<16400xf32, #tpu.memory_space<vmem>>[vector<16xi32>], vector<16xf32>,
        tpu.vector_store_idx %arg10[%add3A_562], %add3A_657 {add = true} : memref<16400xi32, #tpu.memory_space<vmem>>[vector<16xi32>], vector<16xi32>,
        tpu.vector_store_idx %arg11[%add3A_562], %div3A_466 {add = true} : memref<16400xf32, #tpu.memory_space<vmem>>[vector<16xi32>], vector<16xf32>,
        tpu.vector_store_idx %arg10[%add3A_568], %add3A_663 {add = true} : memref<16400xi32, #tpu.memory_space<vmem>>[vector<16xi32>], vector<16xi32>,
        tpu.vector_store_idx %arg11[%add3A_568], %div3A_472 {add = true} : memref<16400xf32, #tpu.memory_space<vmem>>[vector<16xi32>], vector<16xf32>,
        tpu.vector_store_idx %arg10[%add3A_574], %add3A_669 {add = true} : memref<16400xi32, #tpu.memory_space<vmem>>[vector<16xi32>], vector<16xi32>,
        tpu.vector_store_idx %arg11[%add3A_574], %div3A_478 {add = true} : memref<16400xf32, #tpu.memory_space<vmem>>[vector<16xi32>], vector<16xf32>,
        tpu.vector_store_idx %arg10[%add3A_580], %add3A_675 {add = true} : memref<16400xi32, #tpu.memory_space<vmem>>[vector<16xi32>], vector<16xi32>,
        tpu.vector_store_idx %arg11[%add3A_580], %div3A_484 {add = true} : memref<16400xf32, #tpu.memory_space<vmem>>[vector<16xi32>], vector<16xf32>,
        tpu.vector_store_idx %arg10[%add3A_586], %add3A_681 {add = true} : memref<16400xi32, #tpu.memory_space<vmem>>[vector<16xi32>], vector<16xi32>,
        tpu.vector_store_idx %arg11[%add3A_586], %div3A_490 {add = true} : memref<16400xf32, #tpu.memory_space<vmem>>[vector<16xi32>], vector<16xf32>,
        tpu.vector_store_idx %arg10[%add3A_592], %add3A_687 {add = true} : memref<16400xi32, #tpu.memory_space<vmem>>[vector<16xi32>], vector<16xi32>,
        tpu.vector_store_idx %arg11[%add3A_592], %div3A_496 {add = true} : memref<16400xf32, #tpu.memory_space<vmem>>[vector<16xi32>], vector<16xf32>,
        %scan3A_688 = arith.constant 0 : i32
        scf.yield %scan3A_688 : i32
      }
      %scan3A_111 = arith.constant 64 : i32
      %scan3A_112 = arith.constant 0 : i32
      scf.yield %scan3A_112 : i32
    }
    %scan3A_38 = arith.constant 8 : i32
    "tpu.region"() ({
      %run_scoped3A = tpu.sem_alloc : memref<!tpu.dma_semaphore, #tpu.memory_space<semaphore_mem>>
      %dma_start3A_39 = arith.constant 0 : i32
      %dma_start3A_40 = tpu.memref_slice %arg4[%add3A, %dma_start3A_39] : memref<32x16400xi32, #tpu.memory_space<hbm>> -> memref<1x16400xi32, #tpu.memory_space<hbm>>
      %dma_start3A_41 = tpu.memref_squeeze %dma_start3A_40 : memref<1x16400xi32, #tpu.memory_space<hbm>> -> memref<16400xi32, #tpu.memory_space<hbm>>
      %dma_start3A_42 = arith.constant 0 : i32
      %dma_start3A_43 = tpu.memref_slice %arg4[%add3A, %dma_start3A_42] : memref<32x16400xi32, #tpu.memory_space<hbm>> -> memref<1x16400xi32, #tpu.memory_space<hbm>>
      %dma_start3A_44 = tpu.memref_squeeze %dma_start3A_43 : memref<1x16400xi32, #tpu.memory_space<hbm>> -> memref<16400xi32, #tpu.memory_space<hbm>>
      tpu.enqueue_dma source(%arg10 : memref<16400xi32, #tpu.memory_space<vmem>>) target(%dma_start3A_44 : memref<16400xi32, #tpu.memory_space<hbm>>) target_semaphore(%run_scoped3A : memref<!tpu.dma_semaphore, #tpu.memory_space<semaphore_mem>>)
      %dma_wait3A = arith.constant 0 : i32
      %dma_wait3A_45 = tpu.memref_slice %arg4[%add3A, %dma_wait3A] : memref<32x16400xi32, #tpu.memory_space<hbm>> -> memref<1x16400xi32, #tpu.memory_space<hbm>>
      %dma_wait3A_46 = tpu.memref_squeeze %dma_wait3A_45 : memref<1x16400xi32, #tpu.memory_space<hbm>> -> memref<16400xi32, #tpu.memory_space<hbm>>
      %dma_wait3A_47 = arith.constant 0 : i32
      %dma_wait3A_48 = tpu.memref_slice %arg4[%add3A, %dma_wait3A_47] : memref<32x16400xi32, #tpu.memory_space<hbm>> -> memref<1x16400xi32, #tpu.memory_space<hbm>>
      %dma_wait3A_49 = tpu.memref_squeeze %dma_wait3A_48 : memref<1x16400xi32, #tpu.memory_space<hbm>> -> memref<16400xi32, #tpu.memory_space<hbm>>
      tpu.wait_dma2 semaphore(%run_scoped3A : memref<!tpu.dma_semaphore, #tpu.memory_space<semaphore_mem>>) src(%arg10 : memref<16400xi32, #tpu.memory_space<vmem>>) dst(%dma_wait3A_49 : memref<16400xi32, #tpu.memory_space<hbm>>)
      tpu.yield
    }) : () -> ()
    "tpu.region"() ({
      %run_scoped3A = tpu.sem_alloc : memref<!tpu.dma_semaphore, #tpu.memory_space<semaphore_mem>>
      %dma_start3A_39 = arith.constant 0 : i32
      %dma_start3A_40 = tpu.memref_slice %arg5[%add3A, %dma_start3A_39] : memref<32x16400xf32, #tpu.memory_space<hbm>> -> memref<1x16400xf32, #tpu.memory_space<hbm>>
      %dma_start3A_41 = tpu.memref_squeeze %dma_start3A_40 : memref<1x16400xf32, #tpu.memory_space<hbm>> -> memref<16400xf32, #tpu.memory_space<hbm>>
      %dma_start3A_42 = arith.constant 0 : i32
      %dma_start3A_43 = tpu.memref_slice %arg5[%add3A, %dma_start3A_42] : memref<32x16400xf32, #tpu.memory_space<hbm>> -> memref<1x16400xf32, #tpu.memory_space<hbm>>
      %dma_start3A_44 = tpu.memref_squeeze %dma_start3A_43 : memref<1x16400xf32, #tpu.memory_space<hbm>> -> memref<16400xf32, #tpu.memory_space<hbm>>
      tpu.enqueue_dma source(%arg11 : memref<16400xf32, #tpu.memory_space<vmem>>) target(%dma_start3A_44 : memref<16400xf32, #tpu.memory_space<hbm>>) target_semaphore(%run_scoped3A : memref<!tpu.dma_semaphore, #tpu.memory_space<semaphore_mem>>)
      %dma_wait3A = arith.constant 0 : i32
      %dma_wait3A_45 = tpu.memref_slice %arg5[%add3A, %dma_wait3A] : memref<32x16400xf32, #tpu.memory_space<hbm>> -> memref<1x16400xf32, #tpu.memory_space<hbm>>
      %dma_wait3A_46 = tpu.memref_squeeze %dma_wait3A_45 : memref<1x16400xf32, #tpu.memory_space<hbm>> -> memref<16400xf32, #tpu.memory_space<hbm>>
      %dma_wait3A_47 = arith.constant 0 : i32
      %dma_wait3A_48 = tpu.memref_slice %arg5[%add3A, %dma_wait3A_47] : memref<32x16400xf32, #tpu.memory_space<hbm>> -> memref<1x16400xf32, #tpu.memory_space<hbm>>
      %dma_wait3A_49 = tpu.memref_squeeze %dma_wait3A_48 : memref<1x16400xf32, #tpu.memory_space<hbm>> -> memref<16400xf32, #tpu.memory_space<hbm>>
      tpu.wait_dma2 semaphore(%run_scoped3A : memref<!tpu.dma_semaphore, #tpu.memory_space<semaphore_mem>>) src(%arg11 : memref<16400xf32, #tpu.memory_space<vmem>>) dst(%dma_wait3A_49 : memref<16400xf32, #tpu.memory_space<hbm>>)
      tpu.yield
    }) : () -> ()
    return
  }
}

module attributes {stable_mosaic.version = 14 : i64} {
  func.func @_tc_finish(%arg0: memref<32x16400xi32, #tpu.memory_space<vmem>>, %arg1: memref<32x16400xf32, #tpu.memory_space<vmem>>, %arg2: memref<1x1xf32, #tpu.memory_space<vmem>>) attributes {dimension_semantics = [], scalar_prefetch = 0 : i64, scratch_operands = 0 : i64, tpu.core_type = #tpu.core_type<tc>} {
    %get3A = arith.constant 0 : index
    %get3A_0 = arith.constant 0 : index
    %get3A_1 = vector.load %arg0[%get3A, %get3A_0] : memref<32x16400xi32, #tpu.memory_space<vmem>>, vector<32x16400xi32>
    %and3A = arith.constant 32767 : i32
    %and3A_2 = vector.broadcast %and3A : i32 to vector<32x16400xi32>
    %and3A_3 = arith.andi %get3A_1, %and3A_2 : vector<32x16400xi32>
    %shift_right_logical3A = arith.constant 15 : i32
    %shift_right_logical3A_4 = vector.broadcast %shift_right_logical3A : i32 to vector<32x16400xi32>
    %shift_right_logical3A_5 = arith.shrui %get3A_1, %shift_right_logical3A_4 : vector<32x16400xi32>
    %reduce_sum3A = arith.constant dense<0> : vector<16400xi32>
    %reduce_sum3A_6 = vector.multi_reduction <add>, %and3A_3, %reduce_sum3A [0] : vector<32x16400xi32> to vector<16400xi32>
    %broadcast_in_dim3A = vector.shape_cast %reduce_sum3A_6 : vector<16400xi32> to vector<1x16400xi32>
    %convert_element_type3A = arith.sitofp %broadcast_in_dim3A : vector<1x16400xi32> to vector<1x16400xf32>
    %reduce_sum3A_7 = arith.constant dense<0> : vector<16400xi32>
    %reduce_sum3A_8 = vector.multi_reduction <add>, %shift_right_logical3A_5, %reduce_sum3A_7 [0] : vector<32x16400xi32> to vector<16400xi32>
    %broadcast_in_dim3A_9 = vector.shape_cast %reduce_sum3A_8 : vector<16400xi32> to vector<1x16400xi32>
    %convert_element_type3A_10 = arith.sitofp %broadcast_in_dim3A_9 : vector<1x16400xi32> to vector<1x16400xf32>
    %get3A_11 = arith.constant 0 : index
    %get3A_12 = arith.constant 0 : index
    %get3A_13 = vector.load %arg1[%get3A_11, %get3A_12] : memref<32x16400xf32, #tpu.memory_space<vmem>>, vector<32x16400xf32>
    %reduce_sum3A_14 = arith.constant dense<0.000000e+00> : vector<16400xf32>
    %reduce_sum3A_15 = vector.multi_reduction <add>, %get3A_13, %reduce_sum3A_14 [0] : vector<32x16400xf32> to vector<16400xf32>
    %broadcast_in_dim3A_16 = vector.shape_cast %reduce_sum3A_15 : vector<16400xf32> to vector<1x16400xf32>
    %slice3A = vector.extract_strided_slice %convert_element_type3A {offsets = [0, 0], sizes = [1, 1025], strides = [1, 1]} : vector<1x16400xf32> to vector<1x1025xf32>
    %slice3A_17 = vector.extract_strided_slice %convert_element_type3A {offsets = [0, 1025], sizes = [1, 1025], strides = [1, 1]} : vector<1x16400xf32> to vector<1x1025xf32>
    %add3A = arith.addf %slice3A, %slice3A_17 : vector<1x1025xf32>
    %slice3A_18 = vector.extract_strided_slice %convert_element_type3A {offsets = [0, 2050], sizes = [1, 1025], strides = [1, 1]} : vector<1x16400xf32> to vector<1x1025xf32>
    %add3A_19 = arith.addf %add3A, %slice3A_18 : vector<1x1025xf32>
    %slice3A_20 = vector.extract_strided_slice %convert_element_type3A {offsets = [0, 3075], sizes = [1, 1025], strides = [1, 1]} : vector<1x16400xf32> to vector<1x1025xf32>
    %add3A_21 = arith.addf %add3A_19, %slice3A_20 : vector<1x1025xf32>
    %slice3A_22 = vector.extract_strided_slice %convert_element_type3A {offsets = [0, 4100], sizes = [1, 1025], strides = [1, 1]} : vector<1x16400xf32> to vector<1x1025xf32>
    %add3A_23 = arith.addf %add3A_21, %slice3A_22 : vector<1x1025xf32>
    %slice3A_24 = vector.extract_strided_slice %convert_element_type3A {offsets = [0, 5125], sizes = [1, 1025], strides = [1, 1]} : vector<1x16400xf32> to vector<1x1025xf32>
    %add3A_25 = arith.addf %add3A_23, %slice3A_24 : vector<1x1025xf32>
    %slice3A_26 = vector.extract_strided_slice %convert_element_type3A {offsets = [0, 6150], sizes = [1, 1025], strides = [1, 1]} : vector<1x16400xf32> to vector<1x1025xf32>
    %add3A_27 = arith.addf %add3A_25, %slice3A_26 : vector<1x1025xf32>
    %slice3A_28 = vector.extract_strided_slice %convert_element_type3A {offsets = [0, 7175], sizes = [1, 1025], strides = [1, 1]} : vector<1x16400xf32> to vector<1x1025xf32>
    %add3A_29 = arith.addf %add3A_27, %slice3A_28 : vector<1x1025xf32>
    %slice3A_30 = vector.extract_strided_slice %convert_element_type3A {offsets = [0, 8200], sizes = [1, 1025], strides = [1, 1]} : vector<1x16400xf32> to vector<1x1025xf32>
    %add3A_31 = arith.addf %add3A_29, %slice3A_30 : vector<1x1025xf32>
    %slice3A_32 = vector.extract_strided_slice %convert_element_type3A {offsets = [0, 9225], sizes = [1, 1025], strides = [1, 1]} : vector<1x16400xf32> to vector<1x1025xf32>
    %add3A_33 = arith.addf %add3A_31, %slice3A_32 : vector<1x1025xf32>
    %slice3A_34 = vector.extract_strided_slice %convert_element_type3A {offsets = [0, 10250], sizes = [1, 1025], strides = [1, 1]} : vector<1x16400xf32> to vector<1x1025xf32>
    %add3A_35 = arith.addf %add3A_33, %slice3A_34 : vector<1x1025xf32>
    %slice3A_36 = vector.extract_strided_slice %convert_element_type3A {offsets = [0, 11275], sizes = [1, 1025], strides = [1, 1]} : vector<1x16400xf32> to vector<1x1025xf32>
    %add3A_37 = arith.addf %add3A_35, %slice3A_36 : vector<1x1025xf32>
    %slice3A_38 = vector.extract_strided_slice %convert_element_type3A {offsets = [0, 12300], sizes = [1, 1025], strides = [1, 1]} : vector<1x16400xf32> to vector<1x1025xf32>
    %add3A_39 = arith.addf %add3A_37, %slice3A_38 : vector<1x1025xf32>
    %slice3A_40 = vector.extract_strided_slice %convert_element_type3A {offsets = [0, 13325], sizes = [1, 1025], strides = [1, 1]} : vector<1x16400xf32> to vector<1x1025xf32>
    %add3A_41 = arith.addf %add3A_39, %slice3A_40 : vector<1x1025xf32>
    %slice3A_42 = vector.extract_strided_slice %convert_element_type3A {offsets = [0, 14350], sizes = [1, 1025], strides = [1, 1]} : vector<1x16400xf32> to vector<1x1025xf32>
    %add3A_43 = arith.addf %add3A_41, %slice3A_42 : vector<1x1025xf32>
    %slice3A_44 = vector.extract_strided_slice %convert_element_type3A {offsets = [0, 15375], sizes = [1, 1025], strides = [1, 1]} : vector<1x16400xf32> to vector<1x1025xf32>
    %add3A_45 = arith.addf %add3A_43, %slice3A_44 : vector<1x1025xf32>
    %slice3A_46 = vector.extract_strided_slice %convert_element_type3A_10 {offsets = [0, 0], sizes = [1, 1025], strides = [1, 1]} : vector<1x16400xf32> to vector<1x1025xf32>
    %slice3A_47 = vector.extract_strided_slice %convert_element_type3A_10 {offsets = [0, 1025], sizes = [1, 1025], strides = [1, 1]} : vector<1x16400xf32> to vector<1x1025xf32>
    %add3A_48 = arith.addf %slice3A_46, %slice3A_47 : vector<1x1025xf32>
    %slice3A_49 = vector.extract_strided_slice %convert_element_type3A_10 {offsets = [0, 2050], sizes = [1, 1025], strides = [1, 1]} : vector<1x16400xf32> to vector<1x1025xf32>
    %add3A_50 = arith.addf %add3A_48, %slice3A_49 : vector<1x1025xf32>
    %slice3A_51 = vector.extract_strided_slice %convert_element_type3A_10 {offsets = [0, 3075], sizes = [1, 1025], strides = [1, 1]} : vector<1x16400xf32> to vector<1x1025xf32>
    %add3A_52 = arith.addf %add3A_50, %slice3A_51 : vector<1x1025xf32>
    %slice3A_53 = vector.extract_strided_slice %convert_element_type3A_10 {offsets = [0, 4100], sizes = [1, 1025], strides = [1, 1]} : vector<1x16400xf32> to vector<1x1025xf32>
    %add3A_54 = arith.addf %add3A_52, %slice3A_53 : vector<1x1025xf32>
    %slice3A_55 = vector.extract_strided_slice %convert_element_type3A_10 {offsets = [0, 5125], sizes = [1, 1025], strides = [1, 1]} : vector<1x16400xf32> to vector<1x1025xf32>
    %add3A_56 = arith.addf %add3A_54, %slice3A_55 : vector<1x1025xf32>
    %slice3A_57 = vector.extract_strided_slice %convert_element_type3A_10 {offsets = [0, 6150], sizes = [1, 1025], strides = [1, 1]} : vector<1x16400xf32> to vector<1x1025xf32>
    %add3A_58 = arith.addf %add3A_56, %slice3A_57 : vector<1x1025xf32>
    %slice3A_59 = vector.extract_strided_slice %convert_element_type3A_10 {offsets = [0, 7175], sizes = [1, 1025], strides = [1, 1]} : vector<1x16400xf32> to vector<1x1025xf32>
    %add3A_60 = arith.addf %add3A_58, %slice3A_59 : vector<1x1025xf32>
    %slice3A_61 = vector.extract_strided_slice %convert_element_type3A_10 {offsets = [0, 8200], sizes = [1, 1025], strides = [1, 1]} : vector<1x16400xf32> to vector<1x1025xf32>
    %add3A_62 = arith.addf %add3A_60, %slice3A_61 : vector<1x1025xf32>
    %slice3A_63 = vector.extract_strided_slice %convert_element_type3A_10 {offsets = [0, 9225], sizes = [1, 1025], strides = [1, 1]} : vector<1x16400xf32> to vector<1x1025xf32>
    %add3A_64 = arith.addf %add3A_62, %slice3A_63 : vector<1x1025xf32>
    %slice3A_65 = vector.extract_strided_slice %convert_element_type3A_10 {offsets = [0, 10250], sizes = [1, 1025], strides = [1, 1]} : vector<1x16400xf32> to vector<1x1025xf32>
    %add3A_66 = arith.addf %add3A_64, %slice3A_65 : vector<1x1025xf32>
    %slice3A_67 = vector.extract_strided_slice %convert_element_type3A_10 {offsets = [0, 11275], sizes = [1, 1025], strides = [1, 1]} : vector<1x16400xf32> to vector<1x1025xf32>
    %add3A_68 = arith.addf %add3A_66, %slice3A_67 : vector<1x1025xf32>
    %slice3A_69 = vector.extract_strided_slice %convert_element_type3A_10 {offsets = [0, 12300], sizes = [1, 1025], strides = [1, 1]} : vector<1x16400xf32> to vector<1x1025xf32>
    %add3A_70 = arith.addf %add3A_68, %slice3A_69 : vector<1x1025xf32>
    %slice3A_71 = vector.extract_strided_slice %convert_element_type3A_10 {offsets = [0, 13325], sizes = [1, 1025], strides = [1, 1]} : vector<1x16400xf32> to vector<1x1025xf32>
    %add3A_72 = arith.addf %add3A_70, %slice3A_71 : vector<1x1025xf32>
    %slice3A_73 = vector.extract_strided_slice %convert_element_type3A_10 {offsets = [0, 14350], sizes = [1, 1025], strides = [1, 1]} : vector<1x16400xf32> to vector<1x1025xf32>
    %add3A_74 = arith.addf %add3A_72, %slice3A_73 : vector<1x1025xf32>
    %slice3A_75 = vector.extract_strided_slice %convert_element_type3A_10 {offsets = [0, 15375], sizes = [1, 1025], strides = [1, 1]} : vector<1x16400xf32> to vector<1x1025xf32>
    %add3A_76 = arith.addf %add3A_74, %slice3A_75 : vector<1x1025xf32>
    %slice3A_77 = vector.extract_strided_slice %broadcast_in_dim3A_16 {offsets = [0, 0], sizes = [1, 1025], strides = [1, 1]} : vector<1x16400xf32> to vector<1x1025xf32>
    %slice3A_78 = vector.extract_strided_slice %broadcast_in_dim3A_16 {offsets = [0, 1025], sizes = [1, 1025], strides = [1, 1]} : vector<1x16400xf32> to vector<1x1025xf32>
    %add3A_79 = arith.addf %slice3A_77, %slice3A_78 : vector<1x1025xf32>
    %slice3A_80 = vector.extract_strided_slice %broadcast_in_dim3A_16 {offsets = [0, 2050], sizes = [1, 1025], strides = [1, 1]} : vector<1x16400xf32> to vector<1x1025xf32>
    %add3A_81 = arith.addf %add3A_79, %slice3A_80 : vector<1x1025xf32>
    %slice3A_82 = vector.extract_strided_slice %broadcast_in_dim3A_16 {offsets = [0, 3075], sizes = [1, 1025], strides = [1, 1]} : vector<1x16400xf32> to vector<1x1025xf32>
    %add3A_83 = arith.addf %add3A_81, %slice3A_82 : vector<1x1025xf32>
    %slice3A_84 = vector.extract_strided_slice %broadcast_in_dim3A_16 {offsets = [0, 4100], sizes = [1, 1025], strides = [1, 1]} : vector<1x16400xf32> to vector<1x1025xf32>
    %add3A_85 = arith.addf %add3A_83, %slice3A_84 : vector<1x1025xf32>
    %slice3A_86 = vector.extract_strided_slice %broadcast_in_dim3A_16 {offsets = [0, 5125], sizes = [1, 1025], strides = [1, 1]} : vector<1x16400xf32> to vector<1x1025xf32>
    %add3A_87 = arith.addf %add3A_85, %slice3A_86 : vector<1x1025xf32>
    %slice3A_88 = vector.extract_strided_slice %broadcast_in_dim3A_16 {offsets = [0, 6150], sizes = [1, 1025], strides = [1, 1]} : vector<1x16400xf32> to vector<1x1025xf32>
    %add3A_89 = arith.addf %add3A_87, %slice3A_88 : vector<1x1025xf32>
    %slice3A_90 = vector.extract_strided_slice %broadcast_in_dim3A_16 {offsets = [0, 7175], sizes = [1, 1025], strides = [1, 1]} : vector<1x16400xf32> to vector<1x1025xf32>
    %add3A_91 = arith.addf %add3A_89, %slice3A_90 : vector<1x1025xf32>
    %slice3A_92 = vector.extract_strided_slice %broadcast_in_dim3A_16 {offsets = [0, 8200], sizes = [1, 1025], strides = [1, 1]} : vector<1x16400xf32> to vector<1x1025xf32>
    %add3A_93 = arith.addf %add3A_91, %slice3A_92 : vector<1x1025xf32>
    %slice3A_94 = vector.extract_strided_slice %broadcast_in_dim3A_16 {offsets = [0, 9225], sizes = [1, 1025], strides = [1, 1]} : vector<1x16400xf32> to vector<1x1025xf32>
    %add3A_95 = arith.addf %add3A_93, %slice3A_94 : vector<1x1025xf32>
    %slice3A_96 = vector.extract_strided_slice %broadcast_in_dim3A_16 {offsets = [0, 10250], sizes = [1, 1025], strides = [1, 1]} : vector<1x16400xf32> to vector<1x1025xf32>
    %add3A_97 = arith.addf %add3A_95, %slice3A_96 : vector<1x1025xf32>
    %slice3A_98 = vector.extract_strided_slice %broadcast_in_dim3A_16 {offsets = [0, 11275], sizes = [1, 1025], strides = [1, 1]} : vector<1x16400xf32> to vector<1x1025xf32>
    %add3A_99 = arith.addf %add3A_97, %slice3A_98 : vector<1x1025xf32>
    %slice3A_100 = vector.extract_strided_slice %broadcast_in_dim3A_16 {offsets = [0, 12300], sizes = [1, 1025], strides = [1, 1]} : vector<1x16400xf32> to vector<1x1025xf32>
    %add3A_101 = arith.addf %add3A_99, %slice3A_100 : vector<1x1025xf32>
    %slice3A_102 = vector.extract_strided_slice %broadcast_in_dim3A_16 {offsets = [0, 13325], sizes = [1, 1025], strides = [1, 1]} : vector<1x16400xf32> to vector<1x1025xf32>
    %add3A_103 = arith.addf %add3A_101, %slice3A_102 : vector<1x1025xf32>
    %slice3A_104 = vector.extract_strided_slice %broadcast_in_dim3A_16 {offsets = [0, 14350], sizes = [1, 1025], strides = [1, 1]} : vector<1x16400xf32> to vector<1x1025xf32>
    %add3A_105 = arith.addf %add3A_103, %slice3A_104 : vector<1x1025xf32>
    %slice3A_106 = vector.extract_strided_slice %broadcast_in_dim3A_16 {offsets = [0, 15375], sizes = [1, 1025], strides = [1, 1]} : vector<1x16400xf32> to vector<1x1025xf32>
    %add3A_107 = arith.addf %add3A_105, %slice3A_106 : vector<1x1025xf32>
    %sub3A = arith.subf %add3A_45, %add3A_107 : vector<1x1025xf32>
    %iota3A = tpu.iota {dimensions = array<i32: 0>} : vector<1025x1025xi32>
    %iota3A_108 = tpu.iota {dimensions = array<i32: 1>} : vector<1025x1025xi32>
    %le3A = arith.cmpi sle, %iota3A, %iota3A_108 : vector<1025x1025xi32>
    %convert_element_type3A_109 = arith.extui %le3A : vector<1025x1025xi1> to vector<1025x1025xi32>
    %convert_element_type3A_110 = arith.sitofp %convert_element_type3A_109 : vector<1025x1025xi32> to vector<1025x1025xf32>
    %dot_general3A = arith.constant dense<0.000000e+00> : vector<1x1025xf32>
    %dot_general3A_111 = tpu.matmul %add3A_45, %convert_element_type3A_110, %dot_general3A {dimension_numbers = #tpu.dot_dimension_numbers<[1], [0], [0], [1], [0, 0, 1, 1], [], []>, precision = #tpu.contract_precision<fp32>, transpose_lhs_hint = false} : vector<1x1025xf32>, vector<1025x1025xf32>, vector<1x1025xf32> -> vector<1x1025xf32>
    %dot_general3A_112 = arith.constant dense<0.000000e+00> : vector<1x1025xf32>
    %dot_general3A_113 = tpu.matmul %add3A_76, %convert_element_type3A_110, %dot_general3A_112 {dimension_numbers = #tpu.dot_dimension_numbers<[1], [0], [0], [1], [0, 0, 1, 1], [], []>, precision = #tpu.contract_precision<fp32>, transpose_lhs_hint = false} : vector<1x1025xf32>, vector<1025x1025xf32>, vector<1x1025xf32> -> vector<1x1025xf32>
    %reduce_sum3A_114 = arith.constant dense<0.000000e+00> : vector<1xf32>
    %reduce_sum3A_115 = vector.multi_reduction <add>, %add3A_76, %reduce_sum3A_114 [1] : vector<1x1025xf32> to vector<1xf32>
    %broadcast_in_dim3A_116 = vector.shape_cast %reduce_sum3A_115 : vector<1xf32> to vector<1x1xf32>
    %add3A_117 = vector.broadcast %broadcast_in_dim3A_116 : vector<1x1xf32> to vector<1x1025xf32>
    %add3A_118 = arith.addf %add3A_117, %dot_general3A_111 : vector<1x1025xf32>
    %sub3A_119 = arith.subf %add3A_118, %dot_general3A_113 : vector<1x1025xf32>
    %eq3A = arith.constant 0.000000e+00 : f32
    %eq3A_120 = vector.broadcast %eq3A : f32 to vector<1x1025xf32>
    %eq3A_121 = arith.cmpf oeq, %sub3A_119, %eq3A_120 : vector<1x1025xf32>
    %jit3A = arith.constant 1.000000e+00 : f32
    %broadcast_in_dim3A_122 = vector.broadcast %jit3A : f32 to vector<1x1025xf32>
    %select_n3A = arith.select %eq3A_121, %broadcast_in_dim3A_122, %sub3A_119 : vector<1x1025xi1>, vector<1x1025xf32>
    %eq3A_123 = arith.constant 0.000000e+00 : f32
    %eq3A_124 = vector.broadcast %eq3A_123 : f32 to vector<1x1025xf32>
    %eq3A_125 = arith.cmpf oeq, %dot_general3A_111, %eq3A_124 : vector<1x1025xf32>
    %sub3A_126 = vector.broadcast %broadcast_in_dim3A_116 : vector<1x1xf32> to vector<1x1025xf32>
    %sub3A_127 = arith.subf %sub3A_126, %dot_general3A_113 : vector<1x1025xf32>
    %div3A = arith.divf %sub3A_127, %select_n3A : vector<1x1025xf32>
    %sub3A_128 = arith.constant 1.000000e+00 : f32
    %sub3A_129 = vector.broadcast %sub3A_128 : f32 to vector<1x1025xf32>
    %sub3A_130 = arith.subf %sub3A_129, %div3A : vector<1x1025xf32>
    %jit3A_131 = arith.constant 0.000000e+00 : f32
    %broadcast_in_dim3A_132 = vector.broadcast %jit3A_131 : f32 to vector<1x1025xf32>
    %select_n3A_133 = arith.select %eq3A_125, %broadcast_in_dim3A_132, %sub3A_130 : vector<1x1025xi1>, vector<1x1025xf32>
    %sub3A_134 = arith.subf %dot_general3A_111, %add3A_45 : vector<1x1025xf32>
    %sub3A_135 = arith.subf %dot_general3A_113, %add3A_76 : vector<1x1025xf32>
    %add3A_136 = vector.broadcast %broadcast_in_dim3A_116 : vector<1x1xf32> to vector<1x1025xf32>
    %add3A_137 = arith.addf %add3A_136, %sub3A_134 : vector<1x1025xf32>
    %sub3A_138 = arith.subf %add3A_137, %sub3A_135 : vector<1x1025xf32>
    %eq3A_139 = arith.constant 0.000000e+00 : f32
    %eq3A_140 = vector.broadcast %eq3A_139 : f32 to vector<1x1025xf32>
    %eq3A_141 = arith.cmpf oeq, %sub3A_138, %eq3A_140 : vector<1x1025xf32>
    %jit3A_142 = arith.constant 1.000000e+00 : f32
    %broadcast_in_dim3A_143 = vector.broadcast %jit3A_142 : f32 to vector<1x1025xf32>
    %select_n3A_144 = arith.select %eq3A_141, %broadcast_in_dim3A_143, %sub3A_138 : vector<1x1025xi1>, vector<1x1025xf32>
    %eq3A_145 = arith.constant 0.000000e+00 : f32
    %eq3A_146 = vector.broadcast %eq3A_145 : f32 to vector<1x1025xf32>
    %eq3A_147 = arith.cmpf oeq, %sub3A_134, %eq3A_146 : vector<1x1025xf32>
    %sub3A_148 = vector.broadcast %broadcast_in_dim3A_116 : vector<1x1xf32> to vector<1x1025xf32>
    %sub3A_149 = arith.subf %sub3A_148, %sub3A_135 : vector<1x1025xf32>
    %div3A_150 = arith.divf %sub3A_149, %select_n3A_144 : vector<1x1025xf32>
    %sub3A_151 = arith.constant 1.000000e+00 : f32
    %sub3A_152 = vector.broadcast %sub3A_151 : f32 to vector<1x1025xf32>
    %sub3A_153 = arith.subf %sub3A_152, %div3A_150 : vector<1x1025xf32>
    %jit3A_154 = arith.constant 0.000000e+00 : f32
    %broadcast_in_dim3A_155 = vector.broadcast %jit3A_154 : f32 to vector<1x1025xf32>
    %select_n3A_156 = arith.select %eq3A_147, %broadcast_in_dim3A_155, %sub3A_153 : vector<1x1025xi1>, vector<1x1025xf32>
    %max3A = arith.constant 1.000000e+00 : f32
    %max3A_157 = vector.broadcast %max3A : f32 to vector<1x1025xf32>
    %max3A_158 = arith.maximumf %add3A_45, %max3A_157 : vector<1x1025xf32>
    %div3A_159 = arith.divf %sub3A, %max3A_158 : vector<1x1025xf32>
    %sub3A_160 = arith.subf %select_n3A_133, %select_n3A_156 : vector<1x1025xf32>
    %mul3A = arith.mulf %div3A_159, %sub3A_160 : vector<1x1025xf32>
    %reduce_sum3A_161 = arith.constant dense<0.000000e+00> : vector<1xf32>
    %reduce_sum3A_162 = vector.multi_reduction <add>, %mul3A, %reduce_sum3A_161 [1] : vector<1x1025xf32> to vector<1xf32>
    %broadcast_in_dim3A_163 = vector.shape_cast %reduce_sum3A_162 : vector<1xf32> to vector<1x1xf32>
    %swap3A = arith.constant 0 : index
    %swap3A_164 = arith.constant 0 : index
    %swap3A_165 = vector.load %arg2[%swap3A, %swap3A_164] : memref<1x1xf32, #tpu.memory_space<vmem>>, vector<1x1xf32>
    tpu.vector_store %arg2[%swap3A, %swap3A_164], %broadcast_in_dim3A_163 {strides = array<i32>} : memref<1x1xf32, #tpu.memory_space<vmem>>, vector<1x1xf32>,
    return
  }
}

</mosaic_0001>

<sc_bundles>
// kernel: kernel.4.cloned.1.call-start
scs
__scs_entry_jumppad:
0x0: {  	(pc) =	sbr.rel $0x88, $3  }
0x1: {  	(tag) =	ssettag $0x0;
	lr =	simm.s32 $0x1  }
0x2: {  	[smem:$0x3F9F] =	sst lr;
	_ =	strace $0xD0000000  }
0x3: {  	_ = 	snop  }
0x4: {  	_ = 	snop  }
0x5: {  	_ = 	snop  }
0x6: {  	_ = 	snop  }
0x7: {  	_ = 	snop  }
__scs_overlays_trampoline_lowered:
0x8: {  	[smem:$0x3FAE] =	sst s0  }
0x9: {  	[smem:$0x3FAF] =	sst s1  }
0xa: {  	[smem:$0x3FB0] =	sst s2  }
0xb: {  	[smem:$0x3FB1] =	sst s3  }
0xc: {  	[smem:$0x3FB2] =	sst s4  }
0xd: {  	[smem:$0x3FB3] =	sst s5  }
0xe: {  	[smem:$0x3FB4] =	sst s6  }
0xf: {  	[smem:$0x3FB5] =	sst s7  }
0x10: {  	[smem:$0x3FB6] =	sst s8  }
0x11: {  	[smem:$0x3FB7] =	sst s9;
	s0 =	simm.s32 @!p0 $0x0  }
0x12: {  	s1 =	sld [smem:$0x3F9D];
	s0 =	simm.s32 @p0 $0x1  }
0x13: {  	[smem:$0x3FB8] =	sst s0;
	s0 =	simm.s32 @!p1 $0x0  }
0x14: {  	s2 =	sld [smem:$0x3F9C];
	s0 =	simm.s32 @p1 $0x1  }
0x15: {  	[smem:$0x3FB9] =	sst s0;
	s0 =	simm.s32 @!p2 $0x0  }
0x16: {  	s3 =	sld [smem:$0x3FDB];
	s0 =	simm.s32 @p2 $0x1  }
0x17: {  	s4 =	simm.s32 $0x1BF5;
	[smem:$0x3FBB] =	sst s0  }
0x18: {  	s0 =	sld [smem:$0x3F9E];
	_ =	swait.ge [sflag:s4], $0x0  }
0x19: {  	s7 =	sld [smem:$0x3F9F]  }
0x1a: {  	s8 =	sadd.s32 $0xFFFFE003, lr  }
0x1b: {  	s9 =	sadd.s32 $0xFFFFFEF7, lr;
	s5 =	simm.s32 $0xFFFFFFFF;
	p2 =	slt.u32 s8, $0xFFFFF086  }
0x1c: {  	p1 =	slt.u32 s9, $0xF7A;
	s5 =	simm.s32 @!p2 $0x0  }
0x1d: {  	s5 =	simm.s32 @p1 $0x1;
	p0 =	seq.s32 s7, s2  }
0x1e: {  	s7 =	smul.u32 @!p0 $0xF7A, s2;
	p2 =	seq.s32 @!p0 s5, $0x0  }
0x1f: {  	s9 =	smul.u32 $0xF7A, s1;
	s8 =	simm.s32 @!p0 $0x1BF5;
	p2 =	por !p2, p0  }
0x20: {  	[sflag:s8] =	ssyncset.s32 @!p0 $0xFFFFF086;
	s6 =	sadd.s32 @!p0 s3, s7;
	s7 =	simm.s32 @!p0 $0x108  }
0x21: {  	s3 =	sadd.s32 s3, s9;
	s6 =	sadd.s32 @!p0 $0x88, s6;
	s7 =	simm.s32 @p2 $0x1082  }
0x22: {  	[simem:s7], [sflag:s8] =	dma.local @!p0 [hbm:s6], $0xF7A  }
0x23: {  	s9 =	sor.u32 $0xD0000000, s2;
	s6 =	simm.s32 $0x108;
	_ =	swait.ge @!p0 [sflag:s8], $0x0  }
0x24: {  	s3 =	sadd.s32 $0x88, s3;
	s6 =	simm.s32 @!p1 $0x1082;
	[sflag:s4] =	ssyncset.s32 $0xFFFFF086  }
0x25: {  	[simem:s6], [sflag:s4] =	dma.local [hbm:s3], $0xF7A  }
0x26: {  	[smem:$0x3F9F] =	sst s1;
	(tag) =	ssettag s2;
	_ =	strace s9  }
0x27: {  	s1 =	sld [smem:$0x3FAF]  }
0x28: {  	s2 =	sld [smem:$0x3FB0]  }
0x29: {  	s4 =	sld [smem:$0x3FB2]  }
0x2a: {  	p0 =	seq.s32 s5, $0x0;
	s5 =	sld [smem:$0x3FB3]  }
0x2b: {  	s6 =	sld [smem:$0x3FB4]  }
0x2c: {  	s7 =	sld [smem:$0x3FB5]  }
0x2d: {  	s3 =	simm.s32 $0x108;
	s8 =	sld [smem:$0x3FB6]  }
0x2e: {  	s3 =	simm.s32 @!p0 $0x1082;
	s9 =	sld [smem:$0x3FB7]  }
0x2f: {  	lr =	sadd.s32 s0, s3;
	s0 =	sld [smem:$0x3FAE]  }
0x30: {  	s3 =	sld [smem:$0x3FB1]  }
0x31: {  	[smem:$0x3FBA] =	sst s10  }
0x32: {  	s10 =	sld [smem:$0x3FB8];
	_ =	sdelay $0x3  }
0x33: {  	p0 =	seq.s32 s10, $0x1;
	s10 =	sld [smem:$0x3FBA];
	_ =	sdelay $0x3  }
0x34: {  	[smem:$0x3FBA] =	sst s10  }
0x35: {  	s10 =	sld [smem:$0x3FB9];
	_ =	sdelay $0x3  }
0x36: {  	p1 =	seq.s32 s10, $0x1;
	s10 =	sld [smem:$0x3FBA];
	_ =	sdelay $0x3  }
0x37: {  	[smem:$0x3FBA] =	sst s10  }
0x38: {  	s10 =	sld [smem:$0x3FBB]  }
0x39: {  	_ = 	snop;
	(pc) =	sbr.ind lr, $3  }
0x3a: {  	_ = 	snop  }
0x3b: {  	_ = 	snop  }
0x3c: {  	p2 =	seq.s32 s10, $0x1;
	s10 =	sld [smem:$0x3FBA]  }
0x3d: {  	_ =	shalt  }
0x3e: {  	_ =	shalt  }
0x3f: {  	_ =	shalt  }
0x40: {  	_ =	shalt  }
0x41: {  	_ =	shalt  }
0x42: {  	_ =	shalt  }
0x43: {  	_ =	shalt  }
0x44: {  	_ =	shalt  }
0x45: {  	_ =	shalt  }
0x46: {  	_ =	shalt  }
0x47: {  	_ =	shalt  }
0x48: {  	_ =	shalt  }
0x49: {  	_ =	shalt  }
0x4a: {  	_ =	shalt  }
0x4b: {  	_ =	shalt  }
0x4c: {  	_ =	shalt  }
0x4d: {  	_ =	shalt  }
0x4e: {  	_ =	shalt  }
0x4f: {  	_ =	shalt  }
0x50: {  	_ =	shalt  }
0x51: {  	_ =	shalt  }
0x52: {  	_ =	shalt  }
0x53: {  	_ =	shalt  }
0x54: {  	_ =	shalt  }
0x55: {  	_ =	shalt  }
0x56: {  	_ =	shalt  }
0x57: {  	_ =	shalt  }
0x58: {  	_ =	shalt  }
0x59: {  	_ =	shalt  }
0x5a: {  	_ =	shalt  }
0x5b: {  	_ =	shalt  }
0x5c: {  	_ =	shalt  }
0x5d: {  	_ =	shalt  }
0x5e: {  	_ =	shalt  }
0x5f: {  	_ =	shalt  }
0x60: {  	_ =	shalt  }
0x61: {  	_ =	shalt  }
0x62: {  	_ =	shalt  }
0x63: {  	_ =	shalt  }
0x64: {  	_ =	shalt  }
0x65: {  	_ =	shalt  }
0x66: {  	_ =	shalt  }
0x67: {  	_ =	shalt  }
0x68: {  	_ =	shalt  }
0x69: {  	_ =	shalt  }
0x6a: {  	_ =	shalt  }
0x6b: {  	_ =	shalt  }
0x6c: {  	_ =	shalt  }
0x6d: {  	_ =	shalt  }
0x6e: {  	_ =	shalt  }
0x6f: {  	_ =	shalt  }
0x70: {  	_ =	shalt  }
0x71: {  	_ =	shalt  }
0x72: {  	_ =	shalt  }
0x73: {  	_ =	shalt  }
0x74: {  	_ =	shalt  }
0x75: {  	_ =	shalt  }
0x76: {  	_ =	shalt  }
0x77: {  	_ =	shalt  }
0x78: {  	_ =	shalt  }
0x79: {  	_ =	shalt  }
0x7a: {  	_ =	shalt  }
0x7b: {  	_ =	shalt  }
0x7c: {  	_ =	shalt  }
0x7d: {  	_ =	shalt  }
0x7e: {  	_ =	shalt  }
0x7f: {  	_ =	shalt  }
0x80: {  	_ =	shalt  }
0x81: {  	_ =	shalt  }
0x82: {  	_ =	shalt  }
0x83: {  	_ =	shalt  }
0x84: {  	_ =	shalt  }
0x85: {  	_ =	shalt  }
0x86: {  	_ =	shalt  }
0x87: {  	_ =	shalt  }
.Lfunc_end0:
.L_simem_size_0:
called_computation_lowered:
.L_overlay_start_0:
0x88: {  	s2 =	sld [smem:$0x3FD9]  }
0x89: {  	s3 =	sld [smem:$0x3FFE];
	_ =	sdelay $0x1  }
0x8a: {  	s1 =	srdreg.scid  }
0x8b: {  	s0 =	sand.u32 $0x1, s1  }
0x8c: {  	s17 =	sshll.u32 s0, $0xA;
	s2 =	sadd.s32 s3, s2  }
0x8d: {  	s2 =	sadd.s32 s2, s17  }
0x8e: {  	[smem:$0x3FC6] =	sst s2  }
0x8f: {  	_ = 	snop  }
0x90: {  	s2 =	sld [smem:$0x3FC9]  }
0x91: {  	s18 =	sld [smem:$0x3FC8];
	(tm) =	ssettm $0x1  }
0x92: {  	s4 =	sld [smem:$0x3FFB];
	_ =	sdelay $0x3  }
0x93: {  	_ =	strace s4  }
0x94: {  	s4 =	sld [smem:$0x3FFC];
	_ =	sdelay $0x3  }
0x95: {  	_ =	strace s4  }
0x96: {  	s4 =	sld [smem:$0x3FFD];
	_ =	sdelay $0x3  }
0x97: {  	_ =	strace s4  }
0x98: {  	_ =	strace $0x8FFFFFFF  }
0x99: {  	s19 =	sld [smem:$0x3FDB];
	_ =	sdelay $0x1  }
0x9a: {  	s5 =	simm.s32 $_scs_section_size  }
0x9b: {  	s6 =	simm.s32 $_size__tile_overlayer_lowered;
	s7 =	simm.s32 $_tile_overlayer_lowered  }
0x9c: {  	s22 =	simm.s32 $0x1BFF;
	s21 =	sshll.u32 s7, $0x1;
	s4 =	sadd.s32 s5, s19  }
0x9d: {  	s8 =	simm.s32 $0x0;
	s20 =	sshll.u32 s6, $0x1;
	s6 =	sadd.s32 s21, s4  }
0x9e: {  	[timem:s8], [sflag:s22] =	dma.local [hbm:s6], s20  }
0x9f: {  	_ =	swait.ge [sflag:s22], s20  }
0xa0: {  	s5 =	ssub.s32 $0x0, s20;
	[sflag:s22] =	ssyncset.done $0x0  }
0xa1: {  	[sflag:s22] =	ssyncadd.s32 s5;
	_ =	sdelay $0x1  }
0xa2: {  	s23 =	simm.s32 $0x1B8B  }
0xa3: {  	_ =	swait.ge [sflag:s23], $0x1  }
0xa4: {  	[sflag:s23] =	ssyncset.done $0x0  }
0xa5: {  	s25 =	simm.s32 $0x1B8E;
	s24 =	sld [smem:$0x3FFE];
	[sflag:s23] =	ssyncadd.s32 $0xFFFFFFFF  }
0xa6: {  	s26 =	simm.s32 $execute0_lowered;
	[smem:$0x3FD2] =	sst s25  }
0xa7: {  	s6 =	sshll.u32 s26, $0x1;
	_ =	strace $0x80000046;
	[dreg:$0x1] =	wrdreg $0xFFFFFFFF  }
0xa8: {  	s28 =	simm.s32 $_size_execute0_lowered;
	s4 =	sadd.s32 s4, s6;
	[dreg:$0x0] =	wrdreg $0x0  }
0xa9: {  	s6 =	sshll.u32 s28, $0x1;
	[dreg:$0x2] =	wrdreg s4  }
0xaa: {  	[dreg:$0x3] =	wrdreg s6  }
0xab: {  	[dreg:$0x4] =	wrdreg $0xC0  }
0xac: {  	_ =	task [dreg:s8], $0x5FFFF  }
0xad: {  	[dreg:$0x1] =	wrdreg $0xFFFFFFFF  }
0xae: {  	[dreg:$0x0] =	wrdreg $0x60  }
0xaf: {  	[dreg:$0x2] =	wrdreg s2  }
0xb0: {  	[dreg:$0x3] =	wrdreg s18  }
0xb1: {  	[dreg:$0x4] =	wrdreg s24  }
0xb2: {  	[dreg:$0x5] =	wrdreg $0x9  }
0xb3: {  	_ =	task.clear_ibuf [dreg:s8], $0x6FFFF;
	_ =	strace $0x90000046  }
0xb4: {  	s29 =	simm.s32 $0x9;
	_ =	strace $0x80000048  }
0xb5: {  	_ =	swait.ge [sflag:s29], $0x1  }
0xb6: {  	[sflag:s29] =	ssyncadd.s32 $0xFFFFFFFF  }
0xb7: {  	_ =	strace $0x90000048  }
0xb8: {  	_ =	sfence  }
0xb9: {  	s30 =	sld [smem:$0x0];
	_ =	sdelay $0x2  }
0xba: {  	s31 =	sshll.u32 s1, $0xD;
	s1 =	sshrl.u32 s1, $0x2  }
0xbb: {  	s3 =	sand.u32 $0x4000, s31;
	s1 =	sadd.s32 s1, s30  }
0xbc: {  	s0 =	sor.u32 s3, s0;
	s1 =	sshll.u32 s1, $0x11  }
0xbd: {  	s0 =	sor.u32 s1, s0  }
0xbe: {  	s0 =	sadd.s32 $0x8F2B, s0  }
0xbf: {  	[sflag:s0] =	ssyncadd.remote.s32 $0x1  }
0xc0: {  	_ =	sfence.sel $0xFFFF  }
0xc1: {  	[dreg:$0x0] =	wrdreg $0xFFFFFFFF;
	(pc) =	sbr.abs _section_cstart, $3  }
0xc2: {  	[dreg:$0x1] =	wrdreg $0xFFFFFFFF  }
0xc3: {  	_ =	task.clear_ibuf [dreg:s8], $0x2FFFF;
	_ =	strace $0x9FFFFFFF  }
0xc4: {  	(tm) =	ssettm $0x7FFFFFFF  }
0xc5: {  	_ =	shalt  }
tec
execute0_lowered:
.L_overlay_start_1:
0x0: {  	(tag) =	ssettag $0x1  }
0x1: {  	s2 =	srdreg.scid;
	s1 =	rddreg [dreg:$0x0]  }
0x2: {  	s0 =	stileid.u32;
	s3 =	rddreg [dreg:$0x1]  }
0x3: {  	s7 =	rddreg [dreg:$0x2];
	s4 =	simm.s32 $0x0;
	s12 =	simm.s32 $0x4000  }
0x4: {  	s13 =	simm.s32 $0x8000;
	s14 =	simm.s32 $0xC000;
	s15 =	simm.s32 $0x1  }
0x5: {  	s16 =	simm.s32 $0x10000;
	s17 =	simm.s32 $0x14080;
	s18 =	simm.s32 $0x2  }
0x6: {  	s19 =	simm.s32 $0x80;
	s20 =	simm.s32 $0x400;
	s21 =	simm.s32 $0x3  }
0x7: {  	s5 =	sand.u32 $0x1, s2;
	s28 =	sshll.u32 s0, $0x1;
	s2 =	rddreg [dreg:$0x3]  }
0x8: {  	s29 =	sshrl.u32 s0, $0x2;
	[smem:$0x7FF] =	sst s4;
	s6 =	sor.u32 s5, s28  }
0x9: {  	s8 =	smul.u32 $0x20400, s29;
	s5 =	ssub.s32 $0x2, s5;
	s9 =	sshll.u32 s6, $0x7  }
0xa: {  	_ =	strace $0x80000047;
	s30 =	sshrl.u32 s5, $0x1;
	s9 =	sand.u32 $0x380, s9  }
0xb: {  	v0 =	vlaneseq.u32;
	s31 =	sshll.u32 s6, $0xF;
	s11 =	ssub.s32 s5, s30;
	s8 =	sor.u32 s8, s9  }
0xc: {  	v2 =	vmul.u32 $0x401, v0;
	s5 =	sshll.u32 s6, $0x12;
	s6 =	sadd.s32 s1, s31;
	s8 =	sshrl.u32 s8, $0x3  }
0xd: {  	s11 =	smax.u32 s11, $0x1;
	s10 =	sadd.s32 s8, s7;
	s7 =	sadd.s32 s3, s31  }
0xe: {  	v1 =	vimm.f32 $0.0e+00;
	v0 =	vimm.s32 $0x0;
	v2 =	vor.u32 $0xB5000000, v2;
	s8 =	sor.u32 $0x8000, s5;
	s9 =	sadd.s32 $0xC00, s10;
	s10 =	sadd.s32 $0x10E00, s10  }
.LBB2_1:
0xf: {  	s22 =	simm.s32 $0x40;
	s23 =	simm.s32 $0x0  }
.LBB2_2:
0x10: {  	p0 =	sne.s32 s22, $0x10000;
	[tilespmem:s23+$0x10000] =	vst v0;
	s24 =	smov.u32 s22;
	s22 =	sadd.s32 $0x40, s22  }
.Ltmp0:
0x11: {  	[tilespmem:s23+$0x14080] =	vst v1;
	(pc) =	sbr.rel @p0 .LBB2_2-.Ltmp0, $2  }
0x12: {  	_ =	sdelay $0x2  }
0x13: {  	s23 =	sshra.s32 s24, $0x2  }
0x14: {  	[tilespmem:s23+$0x10000] =	vst v0  }
0x15: {  	[tilespmem:s23+$0x14080] =	vst v1;
	s22 =	simm.s32 $0x0  }
0x16: {  	[tilespmem:s22], [sflag:$0x1] =	stream.linear.gather [hbm4b:s6+s22], $0x4000, $0x38;
	[tilespmem:$0x18100] =	vst v63  }
0x17: {  	s23 =	simm.s32 $0x0  }
0x18: {  	[tilespmem:s12], [sflag:$0x1] =	stream.linear.gather [hbm4b:s7+s22], $0x4000, $0x38;
	[tilespmem:$0x18100] =	vst v63  }
.LBB2_4:
0x19: {  	s24 =	sshll.u32 s23, $0xF  }
0x1a: {  	s25 =	sor.u32 s24, s5  }
0x1b: {  	s25 =	sshrl.u32 s25, $0x3  }
0x1c: {  	s25 =	sor.u32 $0x800, s25  }
0x1d: {  	s26 =	sadd.s32 s1, s25  }
0x1e: {  	[tilespmem:s13], [sflag:$0x2] =	stream.linear.gather [hbm4b:s26+s22], $0x4000, $0x38;
	[tilespmem:$0x18100] =	vst v63  }
0x1f: {  	s25 =	sadd.s32 s3, s25  }
0x20: {  	[tilespmem:s14], [sflag:$0x2] =	stream.linear.gather [hbm4b:s25+s22], $0x4000, $0x38;
	[tilespmem:$0x18100] =	vst v63  }
0x21: {  	_ =	swait.ge [sflag:s15], $0x4000  }
0x22: {  	[sflag:s15] =	ssyncset.done $0x0  }
0x23: {  	s29 =	simm.s32 $0x0;
	s30 =	sand.u32 $0x800, s22;
	[sflag:s15] =	ssyncadd.s32 $0xFFFFC000  }
0x24: {  	s28 =	simm.s32 $0x0;
	s25 =	sand.u32 $0x3000, s29;
	_ =	swait.ge [sflag:s15], $0x4000  }
0x25: {  	s31 =	sand.u32 $0x380, s28;
	s25 =	sor.u32 s30, s25;
	[sflag:s15] =	ssyncset.done $0x0  }
0x26: {  	s25 =	sor.u32 s31, s25;
	[sflag:s15] =	ssyncadd.s32 $0xFFFFC000  }
0x27: {  	v3 =	vld [tilespmem:s25+$0x20]  }
0x28: {  	v4 =	vld [tilespmem:s25+$0x10]  }
0x29: {  	v5 =	vld [tilespmem:s25+$0x4020]  }
0x2a: {  	v6 =	vld [tilespmem:s25+$0x0]  }
0x2b: {  	v7 =	vld [tilespmem:s25+$0x4010]  }
0x2c: {  	v8 =	vld [tilespmem:s25+$0x4000]  }
0x2d: {  	v9 =	vld [tilespmem:s25+$0x4030]  }
0x2e: {  	v10 =	vld [tilespmem:s25+$0x30]  }
0x2f: {  	v11 =	vld [tilespmem:s25+$0x4040]  }
0x30: {  	v13 =	vld [tilespmem:s25+$0x40];
	v14 =	vshll.u32 v5, $0x8  }
0x31: {  	v15 =	vld [tilespmem:s25+$0x50];
	v8 =	vshll.u32 v8, $0x8;
	v3 =	vxor.u32 v3, v14  }
0x32: {  	v16 =	vld [tilespmem:s25+$0x4060];
	v6 =	vxor.u32 v6, v8;
	v3 =	vmul.f32 $1.442695020e+00, v3  }
0x33: {  	v5 =	vld [tilespmem:s25+$0x4050];
	v7 =	vshll.u32 v7, $0x8;
	v6 =	vmul.f32 $1.442695020e+00, v6  }
0x34: {  	v17 =	vld [tilespmem:s25+$0x60];
	(erf) = vpow2.f32 v3;
	v3 =	vxor.u32 v4, v7  }
0x35: {  	v18 =	vld [tilespmem:s25+$0x4070];
	v12 =	vshll.u32 v9, $0x8;
	(erf) = vpow2.f32 v6;
	v3 =	vmul.f32 $1.442695020e+00, v3  }
0x36: {  	v11 =	vshll.u32 v11, $0x8;
	v4 =	vxor.u32 v10, v12;
	v6 =	vld [tilespmem:s25+$0x70]  }
0x37: {  	v10 =	vxor.u32 v13, v11;
	v4 =	vmul.f32 $1.442695020e+00, v4;
	(erf) = vpow2.f32 v3  }
0x38: {  	v9 =	vshll.u32 v5, $0x8;
	v5 =	vmul.f32 $1.442695020e+00, v10  }
0x39: {  	v10 =	vld [tilespmem:s25+$0x4400];
	v3 =	vxor.u32 v15, v9;
	(erf) = vpow2.f32 v4;
	v4 =	vshll.u32 v16, $0x8  }
0x3a: {  	v15 =	vld [tilespmem:s25+$0x400];
	v13 =	vmul.f32 $1.442695020e+00, v3;
	v3 =	vshll.u32 v18, $0x8;
	v16 =	vxor.u32 v17, v4  }
0x3b: {  	(erf) = vpow2.f32 v5;
	v17 =	vld [tilespmem:s25+$0x4410];
	v5 =	vmul.f32 $1.442695020e+00, v16;
	v6 =	vxor.u32 v6, v3  }
0x3c: {  	(erf) = vpow2.f32 v13;
	v13 =	vld [tilespmem:s25+$0x410];
	v6 =	vmul.f32 $1.442695020e+00, v6  }
0x3d: {  	v20 =	vshrl.u32 v8, $0x10;
	v22 =	vshrl.u32 v7, $0x10;
	v16 =	vld [tilespmem:s25+$0x4420];
	(erf) = vpow2.f32 v5;
	v18 =	vpop (erf)  }
0x3e: {  	v19 =	vld [tilespmem:s25+$0x420];
	v5 =	vshll.u32 v10, $0x8;
	(erf) = vpow2.f32 v6;
	v10 =	vadd.f32 $1.000000000e+00, v18;
	v18 =	vpop (erf)  }
0x3f: {  	v21 =	vld [tilespmem:s25+$0x4430];
	v14 =	vshrl.u32 v14, $0x10;
	v8 =	vxor.u32 v15, v5;
	v15 =	vadd.f32 $1.000000000e+00, v18  }
0x40: {  	v6 =	vshll.u32 v17, $0x8;
	v17 =	vmul.f32 $1.442695020e+00, v8;
	v18 =	vld [tilespmem:s25+$0x430];
	(erf) = vrcp.f32 v10;
	v7 =	vpop (erf)  }
0x41: {  	v37 =	vld [tilespmem:s25+$0x4460];
	v13 =	vxor.u32 v13, v6;
	(erf) = vrcp.f32 v15;
	v15 =	vadd.f32 $1.000000000e+00, v7  }
0x42: {  	v8 =	vshll.u32 v16, $0x8;
	v10 =	vld [tilespmem:s25+$0x4440];
	v13 =	vmul.f32 $1.442695020e+00, v13;
	v16 =	vpop (erf);
	(erf) = vpow2.f32 v17  }
0x43: {  	v23 =	vld [tilespmem:s25+$0x440];
	v17 =	vxor.u32 v19, v8;
	(erf) = vrcp.f32 v15;
	v15 =	vadd.f32 $1.000000000e+00, v16  }
0x44: {  	v22 =	vadd.s32 $0x1, v22;
	v7 =	vshll.u32 v21, $0x8;
	v19 =	vpop (erf);
	v17 =	vmul.f32 $1.442695020e+00, v17  }
0x45: {  	v38 =	vld [tilespmem:s25+$0x460];
	v14 =	vadd.s32 $0x1, v14;
	v16 =	vpop (erf);
	v18 =	vxor.u32 v18, v7;
	(erf) = vpow2.f32 v13  }
0x46: {  	v21 =	vshll.u32 v37, $0x8;
	v13 =	vld [tilespmem:s25+$0x4450];
	v18 =	vmul.f32 $1.442695020e+00, v18;
	v36 =	vpop (erf);
	(erf) = vpow2.f32 v17  }
0x47: {  	v10 =	vshll.u32 v10, $0x8;
	v17 =	vadd.f32 $1.000000000e+00, v19;
	v19 =	vld [tilespmem:s25+$0x450];
	(erf) = vrcp.f32 v15;
	v15 =	vpop (erf)  }
0x48: {  	v23 =	vxor.u32 v23, v10;
	(erf) = vpow2.f32 v18;
	v15 =	vadd.f32 $1.000000000e+00, v15  }
0x49: {  	v16 =	vadd.f32 $1.000000000e+00, v16;
	v23 =	vmul.f32 $1.442695020e+00, v23;
	v24 =	vpop (erf);
	(erf) = vrcp.f32 v17  }
0x4a: {  	v18 =	vadd.f32 $1.000000000e+00, v36;
	v17 =	vadd.s32 $0x1, v20;
	v26 =	vpop (erf);
	(erf) = vrcp.f32 v15  }
0x4b: {  	v13 =	vshll.u32 v13, $0x8;
	v20 =	vxor.u32 v38, v21;
	v27 =	vpop (erf);
	(erf) = vpow2.f32 v23  }
0x4c: {  	v25 =	vmul.f32 $1.024000000e+03, v24;
	v19 =	vxor.u32 v19, v13;
	(erf) = vrcp.f32 v18  }
0x4d: {  	v15 =	vmul.f32 $1.024000000e+03, v26;
	v39 =	vadd.f32 $1.000000000e+00, v27;
	v18 =	vld [tilespmem:s25+$0x4470];
	v40 =	vpop (erf);
	(erf) = vrcp.f32 v16  }
0x4e: {  	v28 =	vld [tilespmem:s25+$0x470];
	v19 =	vmul.f32 $1.442695020e+00, v19;
	v25 =	vadd.f32 $8.388607500e+06, v25;
	v16 =	vpop (erf);
	v29 =	vmul.f32 $1.024000000e+03, v40  }
0x4f: {  	v15 =	vadd.f32 $8.388607500e+06, v15;
	v30 =	vpop (erf);
	(erf) = vrcp.f32 v39;
	v16 =	vadd.f32 $1.000000000e+00, v16  }
0x50: {  	v41 =	vadd.f32 $8.388607500e+06, v29;
	v42 =	vpop (erf);
	(erf) = vpow2.f32 v19;
	v19 =	vmul.f32 $1.442695020e+00, v20  }
0x51: {  	v15 =	vadd.s32 v2, v15;
	v43 =	vadd.f32 $1.000000000e+00, v30;
	v44 =	vpop (erf);
	(erf) = vrcp.f32 v16  }
0x52: {  	v46 =	vmul.f32 $1.024000000e+03, v42;
	v16 =	vshll.u32 v18, $0x8;
	v45 =	vpop (erf);
	(erf) = vpow2.f32 v19  }
0x53: {  	v18 =	vadd.s32 v2, v41;
	v30 =	vadd.f32 $1.000000000e+00, v44;
	v19 =	vxor.u32 v28, v16;
	v31 =	vpop (erf)  }
0x54: {  	v25 =	vadd.s32 v2, v25;
	v19 =	vmul.f32 $1.442695020e+00, v19;
	(erf) = vrcp.f32 v43;
	v32 =	vpop (erf)  }
0x55: {  	v28 =	vadd.f32 $8.388607500e+06, v46;
	v47 =	vmul.f32 $1.024000000e+03, v45;
	(erf) = vrcp.f32 v30;
	v33 =	vpop (erf)  }
0x56: {  	v12 =	vshrl.u32 v12, $0x10;
	v11 =	vshrl.u32 v11, $0x10;
	[tilespmem:v15+s16+$0x0] =	vst.idx.add.s32.msk $0xffff, v17;
	v17 =	vpop (erf);
	(erf) = vpow2.f32 v19  }
0x57: {  	[tilespmem:v15+s17+$0x0] =	vst.idx.add.f32.msk $0xffff, v26;
	v15 =	vadd.s32 v2, v28;
	v19 =	vadd.f32 $8.388607500e+06, v47;
	v48 =	vmul.f32 $1.024000000e+03, v17  }
0x58: {  	v12 =	vadd.s32 $0x1, v12;
	v11 =	vadd.s32 $0x1, v11;
	[tilespmem:v18+s16+$0x0] =	vst.idx.add.s32.msk $0xffff, v22;
	v49 =	vpop (erf)  }
0x59: {  	v50 =	vmul.f32 $1.024000000e+03, v33;
	[tilespmem:v18+s17+$0x0] =	vst.idx.add.f32.msk $0xffff, v40;
	v18 =	vadd.s32 v2, v19;
	v51 =	vpop (erf);
	v19 =	vadd.f32 $8.388607500e+06, v48  }
0x5a: {  	v59 =	vshrl.u32 v9, $0x10;
	v52 =	vmul.f32 $1.024000000e+03, v31;
	v53 =	vadd.f32 $1.000000000e+00, v32;
	[tilespmem:v25+s16+$0x0] =	vst.idx.add.s32.msk $0xffff, v14;
	v14 =	vpop (erf)  }
0x5b: {  	v20 =	vadd.f32 $8.388607500e+06, v50;
	[tilespmem:v25+s17+$0x0] =	vst.idx.add.f32.msk $0xffff, v24;
	v54 =	vadd.f32 $1.000000000e+00, v51;
	v19 =	vadd.s32 v2, v19;
	v55 =	vpop (erf)  }
0x5c: {  	v56 =	vadd.f32 $8.388607500e+06, v52;
	(erf) = vrcp.f32 v53;
	[tilespmem:v15+s16+$0x0] =	vst.idx.add.s32.msk $0xffff, v12;
	v12 =	vadd.f32 $1.000000000e+00, v55  }
0x5d: {  	v57 =	vmul.f32 $1.024000000e+03, v49;
	[tilespmem:v15+s17+$0x0] =	vst.idx.add.f32.msk $0xffff, v42;
	(erf) = vrcp.f32 v54;
	v15 =	vadd.s32 v2, v20;
	v58 =	vpop (erf)  }
0x5e: {  	v4 =	vshrl.u32 v4, $0x10;
	v61 =	vadd.s32 v2, v56;
	[tilespmem:v18+s16+$0x0] =	vst.idx.add.s32.msk $0xffff, v11;
	v9 =	vpop (erf);
	(erf) = vrcp.f32 v12  }
0x5f: {  	v60 =	vmul.f32 $1.024000000e+03, v14;
	v11 =	vadd.s32 $0x1, v59;
	v12 =	vadd.f32 $8.388607500e+06, v57;
	[tilespmem:v18+s17+$0x0] =	vst.idx.add.f32.msk $0xffff, v45;
	v18 =	vpop (erf)  }
0x60: {  	v4 =	vadd.s32 $0x1, v4;
	v3 =	vshrl.u32 v3, $0x10;
	[tilespmem:v19+s16+$0x0] =	vst.idx.add.s32.msk $0xffff, v11;
	v11 =	vadd.f32 $1.000000000e+00, v18  }
0x61: {  	v62 =	vadd.f32 $8.388607500e+06, v60;
	v18 =	vadd.s32 v2, v12;
	v12 =	vmul.f32 $1.024000000e+03, v58;
	[tilespmem:v19+s17+$0x0] =	vst.idx.add.f32.msk $0xffff, v17  }
0x62: {  	v3 =	vadd.s32 $0x1, v3;
	v5 =	vshrl.u32 v5, $0x10;
	[tilespmem:v15+s16+$0x0] =	vst.idx.add.s32.msk $0xffff, v4;
	(erf) = vrcp.f32 v11  }
0x63: {  	v17 =	vmul.f32 $1.024000000e+03, v9;
	v19 =	vadd.s32 v2, v62;
	v11 =	vadd.f32 $8.388607500e+06, v12;
	[tilespmem:v15+s17+$0x0] =	vst.idx.add.f32.msk $0xffff, v33  }
0x64: {  	v6 =	vshrl.u32 v6, $0x10;
	[tilespmem:v61+s16+$0x0] =	vst.idx.add.s32.msk $0xffff, v3  }
0x65: {  	v4 =	vpop (erf);
	v12 =	vadd.f32 $8.388607500e+06, v17;
	v17 =	vadd.s32 $0x1, v5;
	v15 =	vadd.s32 v2, v11;
	[tilespmem:v61+s17+$0x0] =	vst.idx.add.f32.msk $0xffff, v31  }
0x66: {  	v8 =	vshrl.u32 v8, $0x10;
	v3 =	vshrl.u32 v13, $0x10;
	v5 =	vpop (erf);
	[tilespmem:v18+s16+$0x0] =	vst.idx.add.s32.msk $0xffff, v17  }
0x67: {  	v13 =	vadd.s32 $0x1, v6;
	v12 =	vadd.s32 v2, v12;
	v17 =	vmul.f32 $1.024000000e+03, v4;
	[tilespmem:v18+s17+$0x0] =	vst.idx.add.f32.msk $0xffff, v49;
	v6 =	vpop (erf)  }
0x68: {  	v7 =	vshrl.u32 v7, $0x10;
	v18 =	vmul.f32 $1.024000000e+03, v5;
	v63 =	vmul.f32 $1.024000000e+03, v6;
	[tilespmem:v19+s16+$0x0] =	vst.idx.add.s32.msk $0xffff, v13  }
0x69: {  	v8 =	vadd.s32 $0x1, v8;
	v13 =	vshrl.u32 v16, $0x10;
	v16 =	vadd.f32 $8.388607500e+06, v17;
	[tilespmem:v19+s17+$0x0] =	vst.idx.add.f32.msk $0xffff, v14  }
0x6a: {  	v11 =	vshrl.u32 v21, $0x10;
	v14 =	vadd.f32 $8.388607500e+06, v18;
	v17 =	vadd.f32 $8.388607500e+06, v63;
	[tilespmem:v15+s16+$0x0] =	vst.idx.add.s32.msk $0xffff, v8  }
0x6b: {  	v18 =	vadd.s32 $0x1, v7;
	v8 =	vshrl.u32 v10, $0x10;
	v10 =	vadd.s32 v2, v16;
	[tilespmem:v15+s17+$0x0] =	vst.idx.add.f32.msk $0xffff, v58;
	v7 =	vpop (erf)  }
0x6c: {  	s26 =	simm.s32 $0x0;
	s25 =	simm.s32 $0x1;
	v15 =	vadd.s32 v2, v14;
	v14 =	vadd.s32 v2, v17;
	v16 =	vmul.f32 $1.024000000e+03, v7;
	[tilespmem:v12+s16+$0x0] =	vst.idx.add.s32.msk $0xffff, v18  }
.LBB2_5:
0x6d: {  	p0 =	sne.s32 s25, $0x3F  }
0x6e: {  	s26 =	sadd.s32 $0x800, s26;
	s28 =	smov.u32 s25;
	s25 =	sadd.s32 $0x1, s25  }
0x6f: {  	v8 =	vadd.s32 $0x1, v8;
	v3 =	vadd.s32 $0x1, v3;
	v16 =	vadd.f32 $8.388607500e+06, v16;
	[tilespmem:v12+s17+$0x0] =	vst.idx.add.f32.msk $0xffff, v9  }
0x70: {  	[tilespmem:v10+s16+$0x0] =	vst.idx.add.s32.msk $0xffff, v8  }
0x71: {  	v9 =	vadd.s32 $0x1, v11;
	v8 =	vadd.s32 v2, v16;
	[tilespmem:v10+s17+$0x0] =	vst.idx.add.f32.msk $0xffff, v4  }
0x72: {  	[tilespmem:v15+s16+$0x0] =	vst.idx.add.s32.msk $0xffff, v3  }
0x73: {  	[tilespmem:v15+s17+$0x0] =	vst.idx.add.f32.msk $0xffff, v5  }
0x74: {  	s29 =	sshll.u32 s28, $0x8;
	[tilespmem:v14+s16+$0x0] =	vst.idx.add.s32.msk $0xffff, v9  }
0x75: {  	s30 =	sand.u32 $0x800, s26;
	s28 =	sshll.u32 s28, $0x6;
	s29 =	sand.u32 $0x3000, s29;
	v3 =	vadd.s32 $0x1, v13;
	[tilespmem:v14+s17+$0x0] =	vst.idx.add.f32.msk $0xffff, v6  }
0x76: {  	s28 =	sand.u32 $0x380, s28;
	s29 =	sor.u32 s30, s29;
	[tilespmem:v8+s16+$0x0] =	vst.idx.add.s32.msk $0xffff, v3  }
0x77: {  	s28 =	sor.u32 s28, s29;
	[tilespmem:v8+s17+$0x0] =	vst.idx.add.f32.msk $0xffff, v7  }
0x78: {  	v3 =	vld [tilespmem:s28+$0x20]  }
0x79: {  	v4 =	vld [tilespmem:s28+$0x10]  }
0x7a: {  	v5 =	vld [tilespmem:s28+$0x4020]  }
0x7b: {  	v6 =	vld [tilespmem:s28+$0x0]  }
0x7c: {  	v7 =	vld [tilespmem:s28+$0x4010]  }
0x7d: {  	v8 =	vld [tilespmem:s28+$0x4000]  }
0x7e: {  	v9 =	vld [tilespmem:s28+$0x4030]  }
0x7f: {  	v10 =	vld [tilespmem:s28+$0x30]  }
0x80: {  	v11 =	vld [tilespmem:s28+$0x4040]  }
0x81: {  	v5 =	vshll.u32 v5, $0x8;
	v12 =	vld [tilespmem:s28+$0x40];
	v7 =	vshll.u32 v7, $0x8  }
0x82: {  	v3 =	vxor.u32 v3, v5;
	v13 =	vld [tilespmem:s28+$0x4050];
	v8 =	vshll.u32 v8, $0x8;
	v4 =	vxor.u32 v4, v7  }
0x83: {  	v3 =	vmul.f32 $1.442695020e+00, v3;
	v14 =	vld [tilespmem:s28+$0x50];
	v9 =	vshll.u32 v9, $0x8;
	v6 =	vxor.u32 v6, v8  }
0x84: {  	v4 =	vmul.f32 $1.442695020e+00, v4;
	v15 =	vld [tilespmem:s28+$0x4060];
	v10 =	vxor.u32 v10, v9;
	v6 =	vmul.f32 $1.442695020e+00, v6  }
0x85: {  	v16 =	vld [tilespmem:s28+$0x60];
	v11 =	vshll.u32 v11, $0x8;
	v10 =	vmul.f32 $1.442695020e+00, v10;
	(erf) = vpow2.f32 v3  }
0x86: {  	v17 =	vshrl.u32 v8, $0x10;
	v3 =	vld [tilespmem:s28+$0x4070];
	v12 =	vxor.u32 v12, v11;
	(erf) = vpow2.f32 v6  }
0x87: {  	v6 =	vld [tilespmem:s28+$0x70];
	v8 =	vshll.u32 v13, $0x8;
	v12 =	vmul.f32 $1.442695020e+00, v12;
	(erf) = vpow2.f32 v4  }
0x88: {  	v18 =	vshrl.u32 v7, $0x10;
	v13 =	vxor.u32 v14, v8;
	(erf) = vpow2.f32 v10  }
0x89: {  	v7 =	vld [tilespmem:s28+$0x4400];
	v4 =	vshll.u32 v15, $0x8;
	v10 =	vmul.f32 $1.442695020e+00, v13;
	(erf) = vpow2.f32 v12  }
0x8a: {  	v9 =	vshrl.u32 v9, $0x10;
	v12 =	vld [tilespmem:s28+$0x400];
	v13 =	vxor.u32 v16, v4;
	v16 =	vshrl.u32 v5, $0x10  }
0x8b: {  	v14 =	vld [tilespmem:s28+$0x4410];
	v5 =	vshll.u32 v3, $0x8;
	v3 =	vmul.f32 $1.442695020e+00, v13;
	(erf) = vpow2.f32 v10  }
0x8c: {  	v19 =	vshrl.u32 v11, $0x10;
	v8 =	vshrl.u32 v8, $0x10;
	v10 =	vld [tilespmem:s28+$0x410];
	v6 =	vxor.u32 v6, v5  }
0x8d: {  	v13 =	vld [tilespmem:s28+$0x4420];
	v15 =	vmul.f32 $1.442695020e+00, v6;
	v6 =	vadd.s32 $0x1, v8;
	(erf) = vpow2.f32 v3  }
0x8e: {  	v9 =	vadd.s32 $0x1, v9;
	v3 =	vld [tilespmem:s28+$0x420];
	v8 =	vshll.u32 v7, $0x8;
	v7 =	vadd.s32 $0x1, v19;
	v11 =	vpop (erf)  }
0x8f: {  	v19 =	vld [tilespmem:s28+$0x4430];
	v20 =	vxor.u32 v12, v8;
	v11 =	vadd.f32 $1.000000000e+00, v11;
	v21 =	vpop (erf);
	(erf) = vpow2.f32 v15  }
0x90: {  	v22 =	vld [tilespmem:s28+$0x430];
	v12 =	vshll.u32 v14, $0x8;
	v15 =	vmul.f32 $1.442695020e+00, v20;
	v20 =	vadd.f32 $1.000000000e+00, v21;
	v14 =	vpop (erf)  }
0x91: {  	v21 =	vld [tilespmem:s28+$0x4440];
	v10 =	vxor.u32 v10, v12;
	v23 =	vadd.f32 $1.000000000e+00, v14;
	v24 =	vpop (erf);
	(erf) = vrcp.f32 v11  }
0x92: {  	v11 =	vld [tilespmem:s28+$0x440];
	v14 =	vshll.u32 v13, $0x8;
	v10 =	vmul.f32 $1.442695020e+00, v10;
	v13 =	vpop (erf);
	(erf) = vrcp.f32 v20  }
0x93: {  	v20 =	vadd.f32 $1.000000000e+00, v24;
	v3 =	vxor.u32 v3, v14;
	(erf) = vpow2.f32 v15  }
0x94: {  	v15 =	vshll.u32 v19, $0x8;
	v3 =	vmul.f32 $1.442695020e+00, v3;
	v19 =	vpop (erf);
	(erf) = vrcp.f32 v23  }
0x95: {  	v13 =	vadd.f32 $1.000000000e+00, v13;
	v23 =	vld [tilespmem:s28+$0x4450];
	v25 =	vxor.u32 v22, v15;
	(erf) = vpow2.f32 v10  }
0x96: {  	v24 =	vld [tilespmem:s28+$0x450];
	v10 =	vshll.u32 v21, $0x8;
	v21 =	vmul.f32 $1.442695020e+00, v25;
	v22 =	vpop (erf);
	(erf) = vpow2.f32 v3  }
0x97: {  	v3 =	vxor.u32 v11, v10;
	v11 =	vadd.f32 $1.000000000e+00, v19;
	(erf) = vrcp.f32 v20  }
0x98: {  	v16 =	vadd.s32 $0x1, v16;
	v19 =	vadd.f32 $1.000000000e+00, v22;
	v20 =	vpop (erf);
	(erf) = vpow2.f32 v21  }
0x99: {  	v18 =	vadd.s32 $0x1, v18;
	v17 =	vadd.s32 $0x1, v17;
	v20 =	vadd.f32 $1.000000000e+00, v20  }
0x9a: {  	v21 =	vld [tilespmem:s28+$0x4460];
	v28 =	vshll.u32 v23, $0x8;
	v23 =	vmul.f32 $1.442695020e+00, v3;
	v25 =	vpop (erf);
	(erf) = vrcp.f32 v13  }
0x9b: {  	v13 =	vld [tilespmem:s28+$0x460];
	v24 =	vxor.u32 v24, v28;
	v26 =	vmul.f32 $1.024000000e+03, v25;
	v27 =	vpop (erf);
	(erf) = vrcp.f32 v20  }
0x9c: {  	v3 =	vshrl.u32 v28, $0x10;
	v20 =	vmul.f32 $1.024000000e+03, v27;
	v22 =	vpop (erf);
	(erf) = vpow2.f32 v23  }
0x9d: {  	v23 =	vld [tilespmem:s28+$0x4470];
	v22 =	vadd.f32 $1.000000000e+00, v22;
	v26 =	vadd.f32 $8.388607500e+06, v26;
	v28 =	vpop (erf);
	(erf) = vrcp.f32 v19  }
0x9e: {  	v19 =	vld [tilespmem:s28+$0x470];
	v20 =	vadd.f32 $8.388607500e+06, v20;
	v32 =	vmul.f32 $1.024000000e+03, v28;
	v30 =	vpop (erf);
	(erf) = vrcp.f32 v11  }
0x9f: {  	v11 =	vshll.u32 v21, $0x8;
	v21 =	vmul.f32 $1.442695020e+00, v24;
	v24 =	vpop (erf);
	(erf) = vrcp.f32 v22  }
0xa0: {  	v13 =	vxor.u32 v13, v11;
	v20 =	vadd.s32 v2, v20;
	v22 =	vadd.f32 $8.388607500e+06, v32;
	v29 =	vpop (erf)  }
0xa1: {  	v30 =	vadd.f32 $1.000000000e+00, v30;
	v24 =	vadd.f32 $1.000000000e+00, v24;
	v31 =	vpop (erf);
	(erf) = vpow2.f32 v21  }
0xa2: {  	v13 =	vmul.f32 $1.442695020e+00, v13;
	v21 =	vshll.u32 v23, $0x8;
	v22 =	vadd.s32 v2, v22  }
0xa3: {  	v23 =	vmul.f32 $1.024000000e+03, v29;
	v19 =	vxor.u32 v19, v21;
	v32 =	vpop (erf);
	(erf) = vrcp.f32 v30  }
0xa4: {  	v26 =	vadd.s32 v2, v26;
	v30 =	vmul.f32 $1.024000000e+03, v32;
	(erf) = vpow2.f32 v13;
	v33 =	vpop (erf)  }
0xa5: {  	v13 =	vadd.f32 $1.000000000e+00, v31;
	v23 =	vadd.f32 $8.388607500e+06, v23;
	v31 =	vmul.f32 $1.024000000e+03, v33;
	[tilespmem:v20+s16+$0x0] =	vst.idx.add.s32.msk $0xffff, v17;
	v17 =	vpop (erf)  }
0xa6: {  	v34 =	vmul.f32 $1.442695020e+00, v19;
	v17 =	vadd.f32 $1.000000000e+00, v17;
	[tilespmem:v20+s17+$0x0] =	vst.idx.add.f32.msk $0xffff, v27;
	v20 =	vpop (erf);
	(erf) = vrcp.f32 v24  }
0xa7: {  	v23 =	vadd.s32 v2, v23;
	v24 =	vadd.f32 $8.388607500e+06, v30;
	[tilespmem:v22+s16+$0x0] =	vst.idx.add.s32.msk $0xffff, v18;
	v18 =	vpop (erf);
	(erf) = vrcp.f32 v13  }
0xa8: {  	v27 =	vadd.f32 $8.388607500e+06, v31;
	v30 =	vmul.f32 $1.024000000e+03, v18;
	[tilespmem:v22+s17+$0x0] =	vst.idx.add.f32.msk $0xffff, v28;
	(erf) = vpow2.f32 v34;
	v19 =	vpop (erf)  }
0xa9: {  	v11 =	vshrl.u32 v11, $0x10;
	v22 =	vmul.f32 $1.024000000e+03, v19;
	[tilespmem:v26+s16+$0x0] =	vst.idx.add.s32.msk $0xffff, v16;
	(erf) = vrcp.f32 v17  }
0xaa: {  	v16 =	vadd.s32 v2, v24;
	v24 =	vmul.f32 $1.024000000e+03, v20;
	v17 =	vadd.f32 $8.388607500e+06, v30;
	[tilespmem:v26+s17+$0x0] =	vst.idx.add.f32.msk $0xffff, v25;
	v13 =	vpop (erf)  }
0xab: {  	v25 =	vadd.f32 $1.000000000e+00, v13;
	v22 =	vadd.f32 $8.388607500e+06, v22;
	v13 =	vshrl.u32 v21, $0x10  }
0xac: {  	v21 =	vadd.f32 $8.388607500e+06, v24;
	v24 =	vshrl.u32 v8, $0x10;
	v17 =	vadd.s32 v2, v17;
	[tilespmem:v23+s16+$0x0] =	vst.idx.add.s32.msk $0xffff, v9;
	v26 =	vpop (erf)  }
0xad: {  	v28 =	vshrl.u32 v12, $0x10;
	v8 =	vmul.f32 $1.024000000e+03, v26;
	[tilespmem:v23+s17+$0x0] =	vst.idx.add.f32.msk $0xffff, v29;
	v9 =	vpop (erf);
	(erf) = vrcp.f32 v25  }
0xae: {  	v14 =	vshrl.u32 v14, $0x10;
	v21 =	vadd.s32 v2, v21;
	v12 =	vadd.f32 $1.000000000e+00, v9  }
0xaf: {  	v23 =	vadd.s32 v2, v27;
	v25 =	vshrl.u32 v15, $0x10;
	v8 =	vadd.f32 $8.388607500e+06, v8;
	[tilespmem:v16+s16+$0x0] =	vst.idx.add.s32.msk $0xffff, v7;
	v7 =	vpop (erf)  }
0xb0: {  	v15 =	vadd.s32 v2, v22;
	v22 =	vmul.f32 $1.024000000e+03, v7;
	[tilespmem:v16+s17+$0x0] =	vst.idx.add.f32.msk $0xffff, v32;
	v9 =	vpop (erf);
	(erf) = vrcp.f32 v12  }
0xb1: {  	v5 =	vshrl.u32 v5, $0x10;
	v16 =	vshrl.u32 v4, $0x10;
	v12 =	vmul.f32 $1.024000000e+03, v9;
	[tilespmem:v17+s16+$0x0] =	vst.idx.add.s32.msk $0xffff, v6;
	v4 =	vpop (erf)  }
0xb2: {  	v27 =	vadd.s32 v2, v8;
	v6 =	vadd.f32 $1.000000000e+00, v4;
	v8 =	vadd.f32 $8.388607500e+06, v22;
	[tilespmem:v17+s17+$0x0] =	vst.idx.add.f32.msk $0xffff, v18;
	v4 =	vpop (erf)  }
0xb3: {  	v16 =	vadd.s32 $0x1, v16;
	v12 =	vadd.f32 $8.388607500e+06, v12;
	v17 =	vmul.f32 $1.024000000e+03, v4  }
0xb4: {  	v18 =	vadd.s32 v2, v8;
	v8 =	vshrl.u32 v10, $0x10;
	[tilespmem:v21+s16+$0x0] =	vst.idx.add.s32.msk $0xffff, v16;
	(erf) = vrcp.f32 v6  }
0xb5: {  	v10 =	vadd.s32 $0x1, v5;
	v6 =	vadd.f32 $8.388607500e+06, v17;
	[tilespmem:v21+s17+$0x0] =	vst.idx.add.f32.msk $0xffff, v20  }
0xb6: {  	v16 =	vadd.s32 $0x1, v24;
	v12 =	vadd.s32 v2, v12;
	[tilespmem:v23+s16+$0x0] =	vst.idx.add.s32.msk $0xffff, v10;
	v5 =	vpop (erf)  }
0xb7: {  	v17 =	vmul.f32 $1.024000000e+03, v5;
	[tilespmem:v23+s17+$0x0] =	vst.idx.add.f32.msk $0xffff, v33  }
0xb8: {  	v20 =	vadd.s32 $0x1, v28;
	v10 =	vadd.s32 v2, v6;
	[tilespmem:v15+s16+$0x0] =	vst.idx.add.s32.msk $0xffff, v16  }
0xb9: {  	v16 =	vadd.f32 $8.388607500e+06, v17;
	[tilespmem:v15+s17+$0x0] =	vst.idx.add.f32.msk $0xffff, v19;
	v6 =	vpop (erf)  }
.Ltmp1:
0xba: {  	v14 =	vadd.s32 $0x1, v14;
	v17 =	vmul.f32 $1.024000000e+03, v6;
	[tilespmem:v27+s16+$0x0] =	vst.idx.add.s32.msk $0xffff, v20;
	(pc) =	sbr.rel @p0 .LBB2_5-.Ltmp1, $4  }
0xbb: {  	[tilespmem:v27+s17+$0x0] =	vst.idx.add.f32.msk $0xffff, v26  }
0xbc: {  	v15 =	vadd.s32 v2, v16;
	v16 =	vadd.f32 $8.388607500e+06, v17;
	v17 =	vadd.s32 $0x1, v25;
	[tilespmem:v18+s16+$0x0] =	vst.idx.add.s32.msk $0xffff, v14  }
0xbd: {  	[tilespmem:v18+s17+$0x0] =	vst.idx.add.f32.msk $0xffff, v7;
	v7 =	vpop (erf)  }
0xbe: {  	v14 =	vadd.s32 v2, v16;
	v16 =	vmul.f32 $1.024000000e+03, v7;
	[tilespmem:v12+s16+$0x0] =	vst.idx.add.s32.msk $0xffff, v17  }
0xbf: {  	_ =	sdelay $0x3  }
0xc0: {  	v8 =	vadd.s32 $0x1, v8;
	[tilespmem:v12+s17+$0x0] =	vst.idx.add.f32.msk $0xffff, v9;
	v16 =	vadd.f32 $8.388607500e+06, v16  }
0xc1: {  	[tilespmem:v10+s16+$0x0] =	vst.idx.add.s32.msk $0xffff, v8  }
0xc2: {  	v3 =	vadd.s32 $0x1, v3;
	[tilespmem:v10+s17+$0x0] =	vst.idx.add.f32.msk $0xffff, v4;
	v8 =	vadd.s32 v2, v16  }
0xc3: {  	[tilespmem:v15+s16+$0x0] =	vst.idx.add.s32.msk $0xffff, v3  }
0xc4: {  	v3 =	vadd.s32 $0x1, v11;
	[tilespmem:v15+s17+$0x0] =	vst.idx.add.f32.msk $0xffff, v5  }
0xc5: {  	p0 =	seq.s32 s23, $0x7;
	[tilespmem:v14+s16+$0x0] =	vst.idx.add.s32.msk $0xffff, v3  }
0xc6: {  	s24 =	sadd.s32 @!p0 s24, s8;
	v3 =	vadd.s32 $0x1, v13;
	[tilespmem:v14+s17+$0x0] =	vst.idx.add.f32.msk $0xffff, v6  }
0xc7: {  	s24 =	sshrl.u32 @!p0 s24, $0x3;
	[tilespmem:v8+s16+$0x0] =	vst.idx.add.s32.msk $0xffff, v3  }
0xc8: {  	s26 =	simm.s32 @!p0 $0x0;
	s25 =	sadd.s32 @!p0 s1, s24;
	[tilespmem:v8+s17+$0x0] =	vst.idx.add.f32.msk $0xffff, v7  }
0xc9: {  	[tilespmem:s26], [sflag:$0x1] =	stream.linear.gather @!p0 [hbm4b:s25+s26], $0x4000, $0x38;
	[tilespmem:$0x18100] =	vst v63  }
0xca: {  	s24 =	sadd.s32 @!p0 s3, s24;
	s25 =	simm.s32 @!p0 $0x4000  }
0xcb: {  	[tilespmem:s25], [sflag:$0x1] =	stream.linear.gather @!p0 [hbm4b:s24+s26], $0x4000, $0x38;
	[tilespmem:$0x18100] =	vst v63  }
0xcc: {  	_ =	swait.ge [sflag:s18], $0x4000  }
0xcd: {  	s29 =	simm.s32 $0x0;
	[sflag:s18] =	ssyncset.done $0x0  }
0xce: {  	s28 =	simm.s32 $0x0;
	s24 =	simm.s32 $0x0;
	[sflag:s18] =	ssyncadd.s32 $0xFFFFC000  }
0xcf: {  	s25 =	sand.u32 $0x3000, s29;
	s30 =	sand.u32 $0x800, s24;
	_ =	swait.ge [sflag:s18], $0x4000  }
0xd0: {  	s31 =	sand.u32 $0x380, s28;
	s25 =	sor.u32 s30, s25;
	[sflag:s18] =	ssyncset.done $0x0  }
0xd1: {  	s25 =	sor.u32 s31, s25;
	[sflag:s18] =	ssyncadd.s32 $0xFFFFC000  }
0xd2: {  	v3 =	vld [tilespmem:s25+$0x8020]  }
0xd3: {  	v4 =	vld [tilespmem:s25+$0x8010]  }
0xd4: {  	v5 =	vld [tilespmem:s25+$0xC020]  }
0xd5: {  	v6 =	vld [tilespmem:s25+$0x8000]  }
0xd6: {  	v7 =	vld [tilespmem:s25+$0xC010]  }
0xd7: {  	v8 =	vld [tilespmem:s25+$0xC000]  }
0xd8: {  	v9 =	vld [tilespmem:s25+$0xC030]  }
0xd9: {  	v10 =	vld [tilespmem:s25+$0x8030]  }
0xda: {  	v11 =	vld [tilespmem:s25+$0xC040]  }
0xdb: {  	v13 =	vld [tilespmem:s25+$0x8040];
	v14 =	vshll.u32 v5, $0x8  }
0xdc: {  	v15 =	vld [tilespmem:s25+$0x8050];
	v8 =	vshll.u32 v8, $0x8;
	v3 =	vxor.u32 v3, v14  }
0xdd: {  	v16 =	vld [tilespmem:s25+$0xC060];
	v6 =	vxor.u32 v6, v8;
	v3 =	vmul.f32 $1.442695020e+00, v3  }
0xde: {  	v5 =	vld [tilespmem:s25+$0xC050];
	v7 =	vshll.u32 v7, $0x8;
	v6 =	vmul.f32 $1.442695020e+00, v6  }
0xdf: {  	v17 =	vld [tilespmem:s25+$0x8060];
	(erf) = vpow2.f32 v3;
	v3 =	vxor.u32 v4, v7  }
0xe0: {  	v18 =	vld [tilespmem:s25+$0xC070];
	v12 =	vshll.u32 v9, $0x8;
	(erf) = vpow2.f32 v6;
	v3 =	vmul.f32 $1.442695020e+00, v3  }
0xe1: {  	v11 =	vshll.u32 v11, $0x8;
	v4 =	vxor.u32 v10, v12;
	v6 =	vld [tilespmem:s25+$0x8070]  }
0xe2: {  	v10 =	vxor.u32 v13, v11;
	v4 =	vmul.f32 $1.442695020e+00, v4;
	(erf) = vpow2.f32 v3  }
0xe3: {  	v9 =	vshll.u32 v5, $0x8;
	v5 =	vmul.f32 $1.442695020e+00, v10  }
0xe4: {  	v10 =	vld [tilespmem:s25+$0xC400];
	v3 =	vxor.u32 v15, v9;
	(erf) = vpow2.f32 v4;
	v4 =	vshll.u32 v16, $0x8  }
0xe5: {  	v15 =	vld [tilespmem:s25+$0x8400];
	v13 =	vmul.f32 $1.442695020e+00, v3;
	v3 =	vshll.u32 v18, $0x8;
	v16 =	vxor.u32 v17, v4  }
0xe6: {  	(erf) = vpow2.f32 v5;
	v17 =	vld [tilespmem:s25+$0xC410];
	v5 =	vmul.f32 $1.442695020e+00, v16;
	v6 =	vxor.u32 v6, v3  }
0xe7: {  	(erf) = vpow2.f32 v13;
	v13 =	vld [tilespmem:s25+$0x8410];
	v6 =	vmul.f32 $1.442695020e+00, v6  }
0xe8: {  	v20 =	vshrl.u32 v8, $0x10;
	v16 =	vld [tilespmem:s25+$0xC420];
	(erf) = vpow2.f32 v5;
	v18 =	vpop (erf)  }
0xe9: {  	v19 =	vld [tilespmem:s25+$0x8420];
	v5 =	vshll.u32 v10, $0x8;
	(erf) = vpow2.f32 v6;
	v10 =	vadd.f32 $1.000000000e+00, v18;
	v18 =	vpop (erf)  }
0xea: {  	v21 =	vld [tilespmem:s25+$0xC430];
	v22 =	vshrl.u32 v7, $0x10;
	v8 =	vxor.u32 v15, v5;
	v15 =	vadd.f32 $1.000000000e+00, v18  }
0xeb: {  	v6 =	vshll.u32 v17, $0x8;
	v17 =	vmul.f32 $1.442695020e+00, v8;
	v18 =	vld [tilespmem:s25+$0x8430];
	(erf) = vrcp.f32 v10;
	v7 =	vpop (erf)  }
0xec: {  	v38 =	vld [tilespmem:s25+$0xC460];
	v13 =	vxor.u32 v13, v6;
	(erf) = vrcp.f32 v15;
	v15 =	vadd.f32 $1.000000000e+00, v7  }
0xed: {  	v8 =	vshll.u32 v16, $0x8;
	v10 =	vld [tilespmem:s25+$0xC440];
	v13 =	vmul.f32 $1.442695020e+00, v13;
	v16 =	vpop (erf);
	(erf) = vpow2.f32 v17  }
0xee: {  	v23 =	vld [tilespmem:s25+$0x8440];
	v17 =	vxor.u32 v19, v8;
	(erf) = vrcp.f32 v15;
	v15 =	vadd.f32 $1.000000000e+00, v16  }
0xef: {  	v14 =	vshrl.u32 v14, $0x10;
	v7 =	vshll.u32 v21, $0x8;
	v19 =	vpop (erf);
	v17 =	vmul.f32 $1.442695020e+00, v17  }
0xf0: {  	v39 =	vld [tilespmem:s25+$0x8460];
	v22 =	vadd.s32 $0x1, v22;
	v16 =	vpop (erf);
	v18 =	vxor.u32 v18, v7;
	(erf) = vpow2.f32 v13  }
0xf1: {  	v21 =	vshll.u32 v38, $0x8;
	v13 =	vld [tilespmem:s25+$0xC450];
	v18 =	vmul.f32 $1.442695020e+00, v18;
	v37 =	vpop (erf);
	(erf) = vpow2.f32 v17  }
0xf2: {  	v10 =	vshll.u32 v10, $0x8;
	v17 =	vadd.f32 $1.000000000e+00, v19;
	v19 =	vld [tilespmem:s25+$0x8450];
	(erf) = vrcp.f32 v15;
	v15 =	vpop (erf)  }
0xf3: {  	v23 =	vxor.u32 v23, v10;
	(erf) = vpow2.f32 v18;
	v15 =	vadd.f32 $1.000000000e+00, v15  }
0xf4: {  	v16 =	vadd.f32 $1.000000000e+00, v16;
	v23 =	vmul.f32 $1.442695020e+00, v23;
	v24 =	vpop (erf);
	(erf) = vrcp.f32 v17  }
0xf5: {  	v18 =	vadd.f32 $1.000000000e+00, v37;
	v17 =	vadd.s32 $0x1, v20;
	v26 =	vpop (erf);
	(erf) = vrcp.f32 v15  }
0xf6: {  	v13 =	vshll.u32 v13, $0x8;
	v20 =	vxor.u32 v39, v21;
	v27 =	vpop (erf);
	(erf) = vpow2.f32 v23  }
0xf7: {  	v25 =	vmul.f32 $1.024000000e+03, v24;
	v19 =	vxor.u32 v19, v13;
	(erf) = vrcp.f32 v18  }
0xf8: {  	v15 =	vmul.f32 $1.024000000e+03, v26;
	v40 =	vadd.f32 $1.000000000e+00, v27;
	v18 =	vld [tilespmem:s25+$0xC470];
	v41 =	vpop (erf);
	(erf) = vrcp.f32 v16  }
0xf9: {  	v28 =	vld [tilespmem:s25+$0x8470];
	v19 =	vmul.f32 $1.442695020e+00, v19;
	v25 =	vadd.f32 $8.388607500e+06, v25;
	v16 =	vpop (erf);
	v29 =	vmul.f32 $1.024000000e+03, v41  }
0xfa: {  	v15 =	vadd.f32 $8.388607500e+06, v15;
	v30 =	vpop (erf);
	(erf) = vrcp.f32 v40;
	v16 =	vadd.f32 $1.000000000e+00, v16  }
0xfb: {  	v42 =	vadd.f32 $8.388607500e+06, v29;
	v43 =	vpop (erf);
	(erf) = vpow2.f32 v19;
	v19 =	vmul.f32 $1.442695020e+00, v20  }
0xfc: {  	v15 =	vadd.s32 v2, v15;
	v44 =	vadd.f32 $1.000000000e+00, v30;
	v45 =	vpop (erf);
	(erf) = vrcp.f32 v16  }
0xfd: {  	v47 =	vmul.f32 $1.024000000e+03, v43;
	v16 =	vshll.u32 v18, $0x8;
	v46 =	vpop (erf);
	(erf) = vpow2.f32 v19  }
0xfe: {  	v18 =	vadd.s32 v2, v42;
	v30 =	vadd.f32 $1.000000000e+00, v45;
	v19 =	vxor.u32 v28, v16;
	v31 =	vpop (erf)  }
0xff: {  	v25 =	vadd.s32 v2, v25;
	v19 =	vmul.f32 $1.442695020e+00, v19;
	(erf) = vrcp.f32 v44;
	v32 =	vpop (erf)  }
0x100: {  	v28 =	vadd.f32 $8.388607500e+06, v47;
	v48 =	vmul.f32 $1.024000000e+03, v46;
	(erf) = vrcp.f32 v30;
	v33 =	vpop (erf)  }
0x101: {  	v12 =	vshrl.u32 v12, $0x10;
	v11 =	vshrl.u32 v11, $0x10;
	[tilespmem:v15+s16+$0x0] =	vst.idx.add.s32.msk $0xffff, v17;
	v17 =	vpop (erf);
	(erf) = vpow2.f32 v19  }
0x102: {  	[tilespmem:v15+s17+$0x0] =	vst.idx.add.f32.msk $0xffff, v26;
	v15 =	vadd.s32 v2, v28;
	v19 =	vadd.f32 $8.388607500e+06, v48;
	v49 =	vmul.f32 $1.024000000e+03, v17  }
0x103: {  	v14 =	vadd.s32 $0x1, v14;
	v12 =	vadd.s32 $0x1, v12;
	v11 =	vadd.s32 $0x1, v11;
	[tilespmem:v18+s16+$0x0] =	vst.idx.add.s32.msk $0xffff, v22;
	v50 =	vpop (erf)  }
0x104: {  	v51 =	vmul.f32 $1.024000000e+03, v33;
	[tilespmem:v18+s17+$0x0] =	vst.idx.add.f32.msk $0xffff, v41;
	v18 =	vadd.s32 v2, v19;
	v52 =	vpop (erf);
	v19 =	vadd.f32 $8.388607500e+06, v49  }
0x105: {  	v59 =	vshrl.u32 v9, $0x10;
	v53 =	vmul.f32 $1.024000000e+03, v31;
	v54 =	vadd.f32 $1.000000000e+00, v32;
	[tilespmem:v25+s16+$0x0] =	vst.idx.add.s32.msk $0xffff, v14;
	v55 =	vpop (erf)  }
0x106: {  	v20 =	vadd.f32 $8.388607500e+06, v51;
	[tilespmem:v25+s17+$0x0] =	vst.idx.add.f32.msk $0xffff, v24;
	v14 =	vadd.f32 $1.000000000e+00, v52;
	v19 =	vadd.s32 v2, v19;
	v56 =	vpop (erf)  }
0x107: {  	v57 =	vadd.f32 $8.388607500e+06, v53;
	(erf) = vrcp.f32 v54;
	[tilespmem:v15+s16+$0x0] =	vst.idx.add.s32.msk $0xffff, v12;
	v12 =	vadd.f32 $1.000000000e+00, v56  }
0x108: {  	v58 =	vmul.f32 $1.024000000e+03, v50;
	[tilespmem:v15+s17+$0x0] =	vst.idx.add.f32.msk $0xffff, v43;
	(erf) = vrcp.f32 v14;
	v14 =	vadd.s32 v2, v20;
	v15 =	vpop (erf)  }
0x109: {  	v4 =	vshrl.u32 v4, $0x10;
	v61 =	vadd.s32 v2, v57;
	[tilespmem:v18+s16+$0x0] =	vst.idx.add.s32.msk $0xffff, v11;
	v9 =	vpop (erf);
	(erf) = vrcp.f32 v12  }
0x10a: {  	v60 =	vmul.f32 $1.024000000e+03, v55;
	v11 =	vadd.s32 $0x1, v59;
	v12 =	vadd.f32 $8.388607500e+06, v58;
	[tilespmem:v18+s17+$0x0] =	vst.idx.add.f32.msk $0xffff, v46;
	v18 =	vpop (erf)  }
0x10b: {  	v4 =	vadd.s32 $0x1, v4;
	v3 =	vshrl.u32 v3, $0x10;
	[tilespmem:v19+s16+$0x0] =	vst.idx.add.s32.msk $0xffff, v11;
	v11 =	vadd.f32 $1.000000000e+00, v18  }
0x10c: {  	v62 =	vadd.f32 $8.388607500e+06, v60;
	v18 =	vadd.s32 v2, v12;
	v12 =	vmul.f32 $1.024000000e+03, v15;
	[tilespmem:v19+s17+$0x0] =	vst.idx.add.f32.msk $0xffff, v17  }
0x10d: {  	v3 =	vadd.s32 $0x1, v3;
	v5 =	vshrl.u32 v5, $0x10;
	[tilespmem:v14+s16+$0x0] =	vst.idx.add.s32.msk $0xffff, v4;
	(erf) = vrcp.f32 v11  }
0x10e: {  	v17 =	vmul.f32 $1.024000000e+03, v9;
	v19 =	vadd.s32 v2, v62;
	v11 =	vadd.f32 $8.388607500e+06, v12;
	[tilespmem:v14+s17+$0x0] =	vst.idx.add.f32.msk $0xffff, v33  }
0x10f: {  	v6 =	vshrl.u32 v6, $0x10;
	[tilespmem:v61+s16+$0x0] =	vst.idx.add.s32.msk $0xffff, v3  }
0x110: {  	v4 =	vpop (erf);
	v12 =	vadd.f32 $8.388607500e+06, v17;
	v14 =	vadd.s32 $0x1, v5;
	v17 =	vadd.s32 v2, v11;
	[tilespmem:v61+s17+$0x0] =	vst.idx.add.f32.msk $0xffff, v31  }
0x111: {  	v8 =	vshrl.u32 v8, $0x10;
	v3 =	vshrl.u32 v13, $0x10;
	v5 =	vpop (erf);
	[tilespmem:v18+s16+$0x0] =	vst.idx.add.s32.msk $0xffff, v14  }
0x112: {  	v13 =	vmul.f32 $1.024000000e+03, v4;
	v12 =	vadd.s32 v2, v12;
	v14 =	vadd.s32 $0x1, v6;
	[tilespmem:v18+s17+$0x0] =	vst.idx.add.f32.msk $0xffff, v50;
	v6 =	vpop (erf)  }
0x113: {  	v7 =	vshrl.u32 v7, $0x10;
	v18 =	vmul.f32 $1.024000000e+03, v5;
	v63 =	vmul.f32 $1.024000000e+03, v6;
	[tilespmem:v19+s16+$0x0] =	vst.idx.add.s32.msk $0xffff, v14  }
0x114: {  	v8 =	vadd.s32 $0x1, v8;
	v11 =	vshrl.u32 v21, $0x10;
	v13 =	vadd.f32 $8.388607500e+06, v13;
	[tilespmem:v19+s17+$0x0] =	vst.idx.add.f32.msk $0xffff, v55  }
0x115: {  	v14 =	vshrl.u32 v16, $0x10;
	v16 =	vadd.f32 $8.388607500e+06, v18;
	v18 =	vadd.f32 $8.388607500e+06, v63;
	[tilespmem:v17+s16+$0x0] =	vst.idx.add.s32.msk $0xffff, v8  }
0x116: {  	v19 =	vadd.s32 $0x1, v7;
	v8 =	vshrl.u32 v10, $0x10;
	v10 =	vadd.s32 v2, v13;
	[tilespmem:v17+s17+$0x0] =	vst.idx.add.f32.msk $0xffff, v15;
	v7 =	vpop (erf)  }
0x117: {  	s25 =	simm.s32 $0x1;
	v15 =	vadd.s32 v2, v16;
	v13 =	vadd.s32 v2, v18;
	v16 =	vmul.f32 $1.024000000e+03, v7;
	[tilespmem:v12+s16+$0x0] =	vst.idx.add.s32.msk $0xffff, v19  }
.LBB2_7:
0x118: {  	p0 =	sne.s32 s25, $0x3F  }
0x119: {  	s24 =	sadd.s32 $0x800, s24;
	s26 =	smov.u32 s25;
	s25 =	sadd.s32 $0x1, s25  }
0x11a: {  	v8 =	vadd.s32 $0x1, v8;
	v3 =	vadd.s32 $0x1, v3;
	v16 =	vadd.f32 $8.388607500e+06, v16;
	[tilespmem:v12+s17+$0x0] =	vst.idx.add.f32.msk $0xffff, v9  }
0x11b: {  	[tilespmem:v10+s16+$0x0] =	vst.idx.add.s32.msk $0xffff, v8  }
0x11c: {  	v9 =	vadd.s32 $0x1, v11;
	v8 =	vadd.s32 v2, v16;
	[tilespmem:v10+s17+$0x0] =	vst.idx.add.f32.msk $0xffff, v4  }
0x11d: {  	[tilespmem:v15+s16+$0x0] =	vst.idx.add.s32.msk $0xffff, v3  }
0x11e: {  	[tilespmem:v15+s17+$0x0] =	vst.idx.add.f32.msk $0xffff, v5  }
0x11f: {  	s28 =	sshll.u32 s26, $0x8;
	[tilespmem:v13+s16+$0x0] =	vst.idx.add.s32.msk $0xffff, v9  }
0x120: {  	s29 =	sand.u32 $0x800, s24;
	s26 =	sshll.u32 s26, $0x6;
	s28 =	sand.u32 $0x3000, s28;
	v3 =	vadd.s32 $0x1, v14;
	[tilespmem:v13+s17+$0x0] =	vst.idx.add.f32.msk $0xffff, v6  }
0x121: {  	s26 =	sand.u32 $0x380, s26;
	s28 =	sor.u32 s29, s28;
	[tilespmem:v8+s16+$0x0] =	vst.idx.add.s32.msk $0xffff, v3  }
0x122: {  	s26 =	sor.u32 s26, s28;
	[tilespmem:v8+s17+$0x0] =	vst.idx.add.f32.msk $0xffff, v7  }
0x123: {  	v3 =	vld [tilespmem:s26+$0x8020]  }
0x124: {  	v4 =	vld [tilespmem:s26+$0x8010]  }
0x125: {  	v5 =	vld [tilespmem:s26+$0xC020]  }
0x126: {  	v6 =	vld [tilespmem:s26+$0x8000]  }
0x127: {  	v7 =	vld [tilespmem:s26+$0xC010]  }
0x128: {  	v8 =	vld [tilespmem:s26+$0xC000]  }
0x129: {  	v9 =	vld [tilespmem:s26+$0xC030]  }
0x12a: {  	v10 =	vld [tilespmem:s26+$0x8030]  }
0x12b: {  	v11 =	vld [tilespmem:s26+$0xC040]  }
0x12c: {  	v5 =	vshll.u32 v5, $0x8;
	v12 =	vld [tilespmem:s26+$0x8040];
	v7 =	vshll.u32 v7, $0x8  }
0x12d: {  	v3 =	vxor.u32 v3, v5;
	v13 =	vld [tilespmem:s26+$0xC050];
	v8 =	vshll.u32 v8, $0x8;
	v4 =	vxor.u32 v4, v7  }
0x12e: {  	v3 =	vmul.f32 $1.442695020e+00, v3;
	v14 =	vld [tilespmem:s26+$0x8050];
	v9 =	vshll.u32 v9, $0x8;
	v6 =	vxor.u32 v6, v8  }
0x12f: {  	v4 =	vmul.f32 $1.442695020e+00, v4;
	v15 =	vld [tilespmem:s26+$0xC060];
	v10 =	vxor.u32 v10, v9;
	v6 =	vmul.f32 $1.442695020e+00, v6  }
0x130: {  	v16 =	vld [tilespmem:s26+$0x8060];
	v11 =	vshll.u32 v11, $0x8;
	v10 =	vmul.f32 $1.442695020e+00, v10;
	(erf) = vpow2.f32 v3  }
0x131: {  	v17 =	vshrl.u32 v8, $0x10;
	v3 =	vld [tilespmem:s26+$0xC070];
	v12 =	vxor.u32 v12, v11;
	(erf) = vpow2.f32 v6  }
0x132: {  	v6 =	vld [tilespmem:s26+$0x8070];
	v8 =	vshll.u32 v13, $0x8;
	v12 =	vmul.f32 $1.442695020e+00, v12;
	(erf) = vpow2.f32 v4  }
0x133: {  	v13 =	vxor.u32 v14, v8;
	v14 =	vshrl.u32 v7, $0x10;
	(erf) = vpow2.f32 v10  }
0x134: {  	v7 =	vld [tilespmem:s26+$0xC400];
	v4 =	vshll.u32 v15, $0x8;
	v10 =	vmul.f32 $1.442695020e+00, v13;
	(erf) = vpow2.f32 v12  }
0x135: {  	v9 =	vshrl.u32 v9, $0x10;
	v12 =	vld [tilespmem:s26+$0x8400];
	v13 =	vxor.u32 v16, v4;
	v16 =	vshrl.u32 v5, $0x10  }
0x136: {  	v15 =	vld [tilespmem:s26+$0xC410];
	v5 =	vshll.u32 v3, $0x8;
	v3 =	vmul.f32 $1.442695020e+00, v13;
	(erf) = vpow2.f32 v10  }
0x137: {  	v19 =	vshrl.u32 v11, $0x10;
	v8 =	vshrl.u32 v8, $0x10;
	v10 =	vld [tilespmem:s26+$0x8410];
	v6 =	vxor.u32 v6, v5  }
0x138: {  	v13 =	vld [tilespmem:s26+$0xC420];
	v18 =	vmul.f32 $1.442695020e+00, v6;
	v6 =	vadd.s32 $0x1, v8;
	(erf) = vpow2.f32 v3  }
0x139: {  	v9 =	vadd.s32 $0x1, v9;
	v3 =	vld [tilespmem:s26+$0x8420];
	v8 =	vshll.u32 v7, $0x8;
	v7 =	vadd.s32 $0x1, v19;
	v11 =	vpop (erf)  }
0x13a: {  	v19 =	vld [tilespmem:s26+$0xC430];
	v20 =	vxor.u32 v12, v8;
	v11 =	vadd.f32 $1.000000000e+00, v11;
	v21 =	vpop (erf);
	(erf) = vpow2.f32 v18  }
0x13b: {  	v18 =	vld [tilespmem:s26+$0x8430];
	v12 =	vshll.u32 v15, $0x8;
	v15 =	vmul.f32 $1.442695020e+00, v20;
	v20 =	vadd.f32 $1.000000000e+00, v21;
	v21 =	vpop (erf)  }
0x13c: {  	v22 =	vld [tilespmem:s26+$0xC440];
	v10 =	vxor.u32 v10, v12;
	v21 =	vadd.f32 $1.000000000e+00, v21;
	v23 =	vpop (erf);
	(erf) = vrcp.f32 v11  }
0x13d: {  	v11 =	vld [tilespmem:s26+$0x8440];
	v13 =	vshll.u32 v13, $0x8;
	v10 =	vmul.f32 $1.442695020e+00, v10;
	v24 =	vpop (erf);
	(erf) = vrcp.f32 v20  }
0x13e: {  	v20 =	vadd.f32 $1.000000000e+00, v23;
	v3 =	vxor.u32 v3, v13;
	(erf) = vpow2.f32 v15  }
0x13f: {  	v15 =	vshll.u32 v19, $0x8;
	v3 =	vmul.f32 $1.442695020e+00, v3;
	v19 =	vpop (erf);
	(erf) = vrcp.f32 v21  }
0x140: {  	v23 =	vadd.f32 $1.000000000e+00, v24;
	v21 =	vld [tilespmem:s26+$0xC450];
	v18 =	vxor.u32 v18, v15;
	(erf) = vpow2.f32 v10  }
0x141: {  	v24 =	vld [tilespmem:s26+$0x8450];
	v10 =	vshll.u32 v22, $0x8;
	v18 =	vmul.f32 $1.442695020e+00, v18;
	v22 =	vpop (erf);
	(erf) = vpow2.f32 v3  }
0x142: {  	v3 =	vxor.u32 v11, v10;
	v11 =	vadd.f32 $1.000000000e+00, v19;
	(erf) = vrcp.f32 v20  }
0x143: {  	v16 =	vadd.s32 $0x1, v16;
	v19 =	vadd.f32 $1.000000000e+00, v22;
	v20 =	vpop (erf);
	(erf) = vpow2.f32 v18  }
0x144: {  	v17 =	vadd.s32 $0x1, v17;
	v14 =	vadd.s32 $0x1, v14;
	v18 =	vadd.f32 $1.000000000e+00, v20  }
0x145: {  	v22 =	vmul.f32 $1.442695020e+00, v3;
	v20 =	vld [tilespmem:s26+$0xC460];
	v28 =	vshll.u32 v21, $0x8;
	v25 =	vpop (erf);
	(erf) = vrcp.f32 v23  }
0x146: {  	v23 =	vld [tilespmem:s26+$0x8460];
	v24 =	vxor.u32 v24, v28;
	v26 =	vmul.f32 $1.024000000e+03, v25;
	v27 =	vpop (erf);
	(erf) = vrcp.f32 v18  }
0x147: {  	v3 =	vshrl.u32 v28, $0x10;
	v18 =	vmul.f32 $1.024000000e+03, v27;
	v21 =	vpop (erf);
	(erf) = vpow2.f32 v22  }
0x148: {  	v22 =	vld [tilespmem:s26+$0xC470];
	v21 =	vadd.f32 $1.000000000e+00, v21;
	v26 =	vadd.f32 $8.388607500e+06, v26;
	v28 =	vpop (erf);
	(erf) = vrcp.f32 v19  }
0x149: {  	v19 =	vld [tilespmem:s26+$0x8470];
	v18 =	vadd.f32 $8.388607500e+06, v18;
	v32 =	vmul.f32 $1.024000000e+03, v28;
	v30 =	vpop (erf);
	(erf) = vrcp.f32 v11  }
0x14a: {  	v11 =	vshll.u32 v20, $0x8;
	v20 =	vmul.f32 $1.442695020e+00, v24;
	v24 =	vpop (erf);
	(erf) = vrcp.f32 v21  }
0x14b: {  	v21 =	vxor.u32 v23, v11;
	v18 =	vadd.s32 v2, v18;
	v23 =	vadd.f32 $8.388607500e+06, v32;
	v29 =	vpop (erf)  }
0x14c: {  	v30 =	vadd.f32 $1.000000000e+00, v30;
	v24 =	vadd.f32 $1.000000000e+00, v24;
	v31 =	vpop (erf);
	(erf) = vpow2.f32 v20  }
0x14d: {  	v33 =	vmul.f32 $1.442695020e+00, v21;
	v20 =	vshll.u32 v22, $0x8;
	v22 =	vadd.s32 v2, v23  }
0x14e: {  	v23 =	vmul.f32 $1.024000000e+03, v29;
	v19 =	vxor.u32 v19, v20;
	v32 =	vpop (erf);
	(erf) = vrcp.f32 v30  }
0x14f: {  	v26 =	vadd.s32 v2, v26;
	v30 =	vmul.f32 $1.024000000e+03, v32;
	(erf) = vpow2.f32 v33;
	v21 =	vpop (erf)  }
0x150: {  	v31 =	vadd.f32 $1.000000000e+00, v31;
	v23 =	vadd.f32 $8.388607500e+06, v23;
	v33 =	vmul.f32 $1.024000000e+03, v21;
	[tilespmem:v18+s16+$0x0] =	vst.idx.add.s32.msk $0xffff, v17;
	v17 =	vpop (erf)  }
0x151: {  	v34 =	vmul.f32 $1.442695020e+00, v19;
	v17 =	vadd.f32 $1.000000000e+00, v17;
	[tilespmem:v18+s17+$0x0] =	vst.idx.add.f32.msk $0xffff, v27;
	v18 =	vpop (erf);
	(erf) = vrcp.f32 v24  }
0x152: {  	v23 =	vadd.s32 v2, v23;
	v24 =	vadd.f32 $8.388607500e+06, v30;
	[tilespmem:v22+s16+$0x0] =	vst.idx.add.s32.msk $0xffff, v14;
	v27 =	vpop (erf);
	(erf) = vrcp.f32 v31  }
0x153: {  	v30 =	vadd.f32 $8.388607500e+06, v33;
	v31 =	vmul.f32 $1.024000000e+03, v27;
	[tilespmem:v22+s17+$0x0] =	vst.idx.add.f32.msk $0xffff, v28;
	(erf) = vpow2.f32 v34;
	v19 =	vpop (erf)  }
0x154: {  	v11 =	vshrl.u32 v11, $0x10;
	v22 =	vmul.f32 $1.024000000e+03, v19;
	[tilespmem:v26+s16+$0x0] =	vst.idx.add.s32.msk $0xffff, v16;
	(erf) = vrcp.f32 v17  }
0x155: {  	v16 =	vadd.s32 v2, v24;
	v24 =	vmul.f32 $1.024000000e+03, v18;
	v17 =	vadd.f32 $8.388607500e+06, v31;
	[tilespmem:v26+s17+$0x0] =	vst.idx.add.f32.msk $0xffff, v25;
	v14 =	vpop (erf)  }
0x156: {  	v25 =	vadd.f32 $1.000000000e+00, v14;
	v22 =	vadd.f32 $8.388607500e+06, v22;
	v14 =	vshrl.u32 v20, $0x10  }
0x157: {  	v20 =	vadd.f32 $8.388607500e+06, v24;
	v24 =	vshrl.u32 v8, $0x10;
	v17 =	vadd.s32 v2, v17;
	[tilespmem:v23+s16+$0x0] =	vst.idx.add.s32.msk $0xffff, v9;
	v26 =	vpop (erf)  }
0x158: {  	v28 =	vshrl.u32 v12, $0x10;
	v8 =	vmul.f32 $1.024000000e+03, v26;
	[tilespmem:v23+s17+$0x0] =	vst.idx.add.f32.msk $0xffff, v29;
	v9 =	vpop (erf);
	(erf) = vrcp.f32 v25  }
0x159: {  	v13 =	vshrl.u32 v13, $0x10;
	v20 =	vadd.s32 v2, v20;
	v12 =	vadd.f32 $1.000000000e+00, v9  }
0x15a: {  	v23 =	vadd.s32 v2, v30;
	v25 =	vshrl.u32 v15, $0x10;
	v8 =	vadd.f32 $8.388607500e+06, v8;
	[tilespmem:v16+s16+$0x0] =	vst.idx.add.s32.msk $0xffff, v7;
	v7 =	vpop (erf)  }
0x15b: {  	v15 =	vadd.s32 v2, v22;
	v22 =	vmul.f32 $1.024000000e+03, v7;
	[tilespmem:v16+s17+$0x0] =	vst.idx.add.f32.msk $0xffff, v32;
	v9 =	vpop (erf);
	(erf) = vrcp.f32 v12  }
0x15c: {  	v5 =	vshrl.u32 v5, $0x10;
	v16 =	vshrl.u32 v4, $0x10;
	v12 =	vmul.f32 $1.024000000e+03, v9;
	[tilespmem:v17+s16+$0x0] =	vst.idx.add.s32.msk $0xffff, v6;
	v4 =	vpop (erf)  }
0x15d: {  	v29 =	vadd.s32 v2, v8;
	v6 =	vadd.f32 $1.000000000e+00, v4;
	v8 =	vadd.f32 $8.388607500e+06, v22;
	[tilespmem:v17+s17+$0x0] =	vst.idx.add.f32.msk $0xffff, v27;
	v4 =	vpop (erf)  }
0x15e: {  	v16 =	vadd.s32 $0x1, v16;
	v12 =	vadd.f32 $8.388607500e+06, v12;
	v17 =	vmul.f32 $1.024000000e+03, v4  }
0x15f: {  	v22 =	vadd.s32 v2, v8;
	v8 =	vshrl.u32 v10, $0x10;
	[tilespmem:v20+s16+$0x0] =	vst.idx.add.s32.msk $0xffff, v16;
	(erf) = vrcp.f32 v6  }
0x160: {  	v10 =	vadd.s32 $0x1, v5;
	v6 =	vadd.f32 $8.388607500e+06, v17;
	[tilespmem:v20+s17+$0x0] =	vst.idx.add.f32.msk $0xffff, v18  }
0x161: {  	v16 =	vadd.s32 $0x1, v24;
	v12 =	vadd.s32 v2, v12;
	[tilespmem:v23+s16+$0x0] =	vst.idx.add.s32.msk $0xffff, v10;
	v5 =	vpop (erf)  }
0x162: {  	v17 =	vmul.f32 $1.024000000e+03, v5;
	[tilespmem:v23+s17+$0x0] =	vst.idx.add.f32.msk $0xffff, v21  }
0x163: {  	v18 =	vadd.s32 $0x1, v28;
	v10 =	vadd.s32 v2, v6;
	[tilespmem:v15+s16+$0x0] =	vst.idx.add.s32.msk $0xffff, v16  }
0x164: {  	v16 =	vadd.f32 $8.388607500e+06, v17;
	[tilespmem:v15+s17+$0x0] =	vst.idx.add.f32.msk $0xffff, v19;
	v6 =	vpop (erf)  }
.Ltmp2:
0x165: {  	v13 =	vadd.s32 $0x1, v13;
	v17 =	vmul.f32 $1.024000000e+03, v6;
	[tilespmem:v29+s16+$0x0] =	vst.idx.add.s32.msk $0xffff, v18;
	(pc) =	sbr.rel @p0 .LBB2_7-.Ltmp2, $4  }
0x166: {  	[tilespmem:v29+s17+$0x0] =	vst.idx.add.f32.msk $0xffff, v26  }
0x167: {  	v15 =	vadd.s32 v2, v16;
	v16 =	vadd.f32 $8.388607500e+06, v17;
	v17 =	vadd.s32 $0x1, v25;
	[tilespmem:v22+s16+$0x0] =	vst.idx.add.s32.msk $0xffff, v13  }
0x168: {  	[tilespmem:v22+s17+$0x0] =	vst.idx.add.f32.msk $0xffff, v7;
	v7 =	vpop (erf)  }
0x169: {  	v13 =	vadd.s32 v2, v16;
	v16 =	vmul.f32 $1.024000000e+03, v7;
	[tilespmem:v12+s16+$0x0] =	vst.idx.add.s32.msk $0xffff, v17  }
0x16a: {  	_ =	sdelay $0x3  }
0x16b: {  	v8 =	vadd.s32 $0x1, v8;
	[tilespmem:v12+s17+$0x0] =	vst.idx.add.f32.msk $0xffff, v9;
	v16 =	vadd.f32 $8.388607500e+06, v16  }
0x16c: {  	[tilespmem:v10+s16+$0x0] =	vst.idx.add.s32.msk $0xffff, v8  }
0x16d: {  	v3 =	vadd.s32 $0x1, v3;
	s23 =	sadd.s32 $0x1, s23;
	[tilespmem:v10+s17+$0x0] =	vst.idx.add.f32.msk $0xffff, v4;
	v63 =	vadd.s32 v2, v16  }
0x16e: {  	p0 =	sne.s32 s23, $0x8;
	[tilespmem:v15+s16+$0x0] =	vst.idx.add.s32.msk $0xffff, v3  }
.Ltmp3:
0x16f: {  	v3 =	vadd.s32 $0x1, v11;
	[tilespmem:v15+s17+$0x0] =	vst.idx.add.f32.msk $0xffff, v5;
	(pc) =	sbr.rel @p0 .LBB2_4-.Ltmp3, $4  }
0x170: {  	[tilespmem:v13+s16+$0x0] =	vst.idx.add.s32.msk $0xffff, v3  }
0x171: {  	v3 =	vadd.s32 $0x1, v14;
	[tilespmem:v13+s17+$0x0] =	vst.idx.add.f32.msk $0xffff, v6  }
0x172: {  	[tilespmem:v63+s16+$0x0] =	vst.idx.add.s32.msk $0xffff, v3  }
0x173: {  	[tilespmem:v63+s17+$0x0] =	vst.idx.add.f32.msk $0xffff, v7  }
0x174: {  	[hbm4b:s9+s19] =	stream.strided.scatter [tilespmem:s16], [sflag:$0x3], $0x4080, s20, s19, $0x38;
	[tilespmem:$0x18100] =	vst v63  }
0x175: {  	s4 =	sadd.s32 $0x1, s4;
	_ =	swait.ge [sflag:s21], $0x4080  }
0x176: {  	p0 =	sne.s32 s4, s11;
	[sflag:s21] =	ssyncset.done $0x0  }
.Ltmp4:
0x177: {  	[sflag:s21] =	ssyncadd.s32 $0xFFFFBF80;
	(pc) =	sbr.rel @p0 .LBB2_1-.Ltmp4, $4  }
0x178: {  	[hbm4b:s10+s19] =	stream.strided.scatter [tilespmem:s17], [sflag:$0x3], $0x4080, s20, s19, $0x38;
	[tilespmem:$0x18100] =	vst v63  }
0x179: {  	_ =	swait.ge [sflag:s21], $0x4080  }
0x17a: {  	[sflag:s21] =	ssyncset.done $0x0  }
0x17b: {  	[sflag:s21] =	ssyncadd.s32 $0xFFFFBF80  }
0x17c: {  	_ =	sfence.sel $0x180000  }
0x17d: {  	[bflag:$0x0] =	sbarrier.arrive $0xFFFF  }
0x17e: {  	p0 =	sne.s32 s0, $0x0;
	_ =	strace $0x90000047  }
0x17f: {  	s0 =	sadd.s32 @!p0 $0x100000, s2;
	[bflag:$0x2] =	sbarrier.arrive $0xFFFF  }
0x180: {  	[sflag:s0] =	ssyncadd.tile.s32 @!p0 $0x1;
	_ =	shalt  }
.Lfunc_end2:
_tile_overlayer_lowered:
.L_overlay_start_2:
0x181: {  	(tag) =	ssettag $0x2  }
0x182: {  	s0 =	rddreg [dreg:$0x0];
	s2 =	stileid.u32  }
0x183: {  	s1 =	rddreg [dreg:$0x1];
	p0 =	sne.s32 s2, $0x0  }
0x184: {  	s3 =	rddreg [dreg:$0x2];
	[bflag:$0x3] =	sbarrier.arrive $0xFFFF;
	s2 =	simm.s32 @!p0 $0x1C03  }
0x185: {  	[timem:s3], [sflag:s2] =	dma.local @!p0 [hbm:s0], s1  }
0x186: {  	s0 =	simm.s32 @!p0 $0x3  }
0x187: {  	_ =	swait.ge @!p0 [sflag:s0], s1  }
0x188: {  	s1 =	ssub.s32 @!p0 $0x0, s1;
	[sflag:s0] =	ssyncset.done @!p0 $0x0  }
0x189: {  	[sflag:s0] =	ssyncadd.s32 @!p0 s1  }
0x18a: {  	[bflag:$0x3] =	sbarrier.arrive $0xFFFF  }
0x18b: {  	_ =	shalt  }

</sc_bundles>
